<compile_context>
chip_gen: v7x
topology: tpu7x:2x2x1
jax: 0.10.2.dev20260603
libtpu: 0.0.44.dev20260713+nightly
codegen_flags: <defaults>
</compile_context>

<pallas_src>
import functools

import jax
import jax.numpy as jnp
from jax import lax
from jax.experimental import pallas as pl
from jax.experimental.pallas import tpu as pltpu
from jax.experimental.pallas import tpu_sc as plsc

B, N, C = 4, 2048, 768
NKEEP = N // 2
NBLK = 16
IBLK = N // NBLK
NSUB = 16
NSEG = 8
PD = NKEEP // NSEG
CCHUNK = C // 16


def _prep_body(ga_ref, dropi_ref, keepi_ref, wsb_ref, rank_ref, gs_ref):
    b = pl.program_id(0)
    g = ga_ref[0, 0, :]
    gr = g[None, :]

    def rank_blk(blk, _):
        gi = ga_ref[0, 0, pl.ds(blk * IBLK, IBLK)][:, None]
        j_ids = lax.broadcasted_iota(jnp.int32, (IBLK, N), 1)
        i_ids = blk * IBLK + lax.broadcasted_iota(jnp.int32, (IBLK, N), 0)
        beats = (gr > gi) | ((gr == gi) & (j_ids < i_ids))
        rb = jnp.sum(beats.astype(jnp.int32), axis=1)
        rank_ref[0, pl.ds(blk * IBLK, IBLK)] = rb
        return 0

    lax.fori_loop(0, NBLK, rank_blk, 0)

    rank = rank_ref[0, :]

    def inv_blk(blk, _):
        p_ids = blk * IBLK + lax.broadcasted_iota(jnp.int32, (IBLK, N), 0)
        j_ids = lax.broadcasted_iota(jnp.int32, (IBLK, N), 1)
        onehot = rank[None, :] == p_ids
        idx_b = jnp.sum(jnp.where(onehot, j_ids, 0), axis=1)
        gs_b = jnp.sum(jnp.where(onehot, gr, 0.0), axis=1)
        gs_ref[0, pl.ds(blk * IBLK, IBLK)] = gs_b
        rank_ref[0, pl.ds(blk * IBLK, IBLK)] = idx_b
        return 0

    lax.fori_loop(0, NBLK, inv_blk, 0)

    gs = gs_ref[0, :]
    p_all = lax.broadcasted_iota(jnp.int32, (N,), 0)
    s_tot = jnp.sum(jnp.where(p_all >= NKEEP, gs, 0.0))
    gidx = rank_ref[0, :] + 1
    dropi_ref[0, :, :] = gidx[NKEEP:].reshape(NSEG, PD)
    keepi_ref[0, :, :] = gidx[:NKEEP].reshape(NSEG, PD)
    wsb_ref[0, :, :] = (gs[NKEEP:] / s_tot).reshape(NSEG, PD)


def _prep(global_attn):
    ga3 = global_attn.reshape(B, 1, N)
    spec = pl.BlockSpec((1, NSEG, PD), lambda b: (b, 0, 0))
    dropi, keepi, wsb = pl.pallas_call(
        _prep_body,
        grid=(B,),
        in_specs=[pl.BlockSpec((1, 1, N), lambda b: (b, 0, 0))],
        out_specs=[spec, spec, spec],
        out_shape=[
            jax.ShapeDtypeStruct((B, NSEG, PD), jnp.int32),
            jax.ShapeDtypeStruct((B, NSEG, PD), jnp.int32),
            jax.ShapeDtypeStruct((B, NSEG, PD), jnp.float32),
        ],
        scratch_shapes=[
            pltpu.VMEM((1, N), jnp.int32),
            pltpu.VMEM((1, N), jnp.float32),
        ],
    )(ga3)
    return (dropi.reshape(B * NKEEP), keepi.reshape(B * NKEEP),
            wsb.reshape(B * NKEEP))


_TC1 = -0.32430846
_TC2 = 0.10470055
_TC3 = -0.02140485
_TC4 = 0.00185981


def _tanh(z):
    z = jnp.minimum(jnp.maximum(z, -2.0), 2.0)
    u = z * z
    p = _TC4
    p = p * u + _TC3
    p = p * u + _TC2
    p = p * u + _TC1
    return z * (p * u + 1.0)


def _cs(c):
    return pl.ds(pl.multiple_of(c * 16, 16), 16)


def _sc_body(x_hbm, dropi_hbm, keepi_hbm, wsb_hbm, wt_hbm, out_hbm,
             rows_v, idx_v, ws_v, wbr_v, acc_v, tmp_v, rt_v, wt_v, cls_v,
             parts_sh, sem):
    cid = lax.axis_index("c")
    sid = lax.axis_index("s")
    bi = sid // NSEG
    g = sid - bi * NSEG
    b = 2 * cid + bi
    seg_off = b * NKEEP + g * PD
    out_base = b * (N + 1)

    pltpu.sync_copy(wt_hbm, wt_v)
    pltpu.sync_copy(dropi_hbm.at[pl.ds(seg_off, PD)], idx_v)
    pltpu.sync_copy(wsb_hbm.at[pl.ds(seg_off, PD)], ws_v)
    zero16 = jnp.zeros((16,), jnp.float32)

    gcp = pltpu.async_copy(x_hbm.at[b].at[idx_v], rows_v, sem)

    @plsc.parallel_loop(0, PD, 1, unroll=2)
    def wbr_body(r):
        grp = (r // 16) * 16
        wv = ws_v[pl.ds(pl.multiple_of(grp, 16), 16)]
        lane = r - grp
        wsc = jnp.sum(jnp.where(lax.iota(jnp.int32, 16) == lane, wv, 0.0))
        wbr_v[r, :] = jnp.full((16,), wsc, jnp.float32)

    gcp.wait()

    @plsc.parallel_loop(0, CCHUNK, 1, unroll=2)
    def wsum_body(c):
        s = _cs(c)

        def racc(i, accs):
            a0, a1, a2, a3 = accs
            r = 4 * i
            a0 = a0 + wbr_v[r, :] * rows_v[r, s]
            a1 = a1 + wbr_v[r + 1, :] * rows_v[r + 1, s]
            a2 = a2 + wbr_v[r + 2, :] * rows_v[r + 2, s]
            a3 = a3 + wbr_v[r + 3, :] * rows_v[r + 3, s]
            return (a0, a1, a2, a3)

        accs = lax.fori_loop(0, PD // 4, racc,
                             (zero16, zero16, zero16, zero16))
        acc_v[0, s] = (accs[0] + accs[1]) + (accs[2] + accs[3])

    pltpu.sync_copy(acc_v, parts_sh.at[pl.ds(sid, 1)])
    plsc.subcore_barrier()

    pltpu.sync_copy(parts_sh.at[pl.ds(bi * NSEG, NSEG)], tmp_v)

    @plsc.parallel_loop(0, CCHUNK, 1, unroll=2)
    def red_body(c):
        s = _cs(c)
        v = tmp_v[0, s]
        for t in range(1, NSEG):
            v = v + tmp_v[t, s]
        a = v
        r0 = _tanh(a * wt_v[0, s])
        r1 = _tanh((a + r0) * wt_v[1, s])
        rt_v[0, s] = r0 + r1

    @plsc.parallel_loop(0, PD * CCHUNK, 1, unroll=4)
    def drop_body(e):
        r = e // CCHUNK
        c = e - r * CCHUNK
        s = pl.ds(pl.multiple_of(c * 16, 16), 16)
        rows_v[r, s] = rows_v[r, s] + rt_v[0, s]
    wcp = pltpu.async_copy(
        rows_v, out_hbm.at[b, pl.ds(1 + NKEEP + g * PD, PD)], sem)
    wcp.wait()

    pltpu.sync_copy(keepi_hbm.at[pl.ds(seg_off, PD)], idx_v)
    pltpu.async_copy(x_hbm.at[b].at[idx_v], rows_v, sem).wait()

    @plsc.parallel_loop(0, PD * CCHUNK, 1, unroll=4)
    def keep_body(e):
        r = e // CCHUNK
        c = e - r * CCHUNK
        s = pl.ds(pl.multiple_of(c * 16, 16), 16)
        v = rows_v[r, s]
        v = v + _tanh(v * wt_v[0, s])
        v = v + _tanh(v * wt_v[1, s])
        rows_v[r, s] = v
    pltpu.async_copy(
        rows_v, out_hbm.at[b, pl.ds(1 + g * PD, PD)], sem).wait()

    @pl.when(g == 0)
    def _cls():
        pltpu.sync_copy(x_hbm.at[b, pl.ds(0, 1)], cls_v)

        def c_body(c, _):
            s = _cs(c)
            v = cls_v[0, s]
            v = v + _tanh(v * wt_v[0, s])
            v = v + _tanh(v * wt_v[1, s])
            cls_v[0, s] = v
            return 0

        lax.fori_loop(0, CCHUNK, c_body, 0)
        pltpu.sync_copy(cls_v, out_hbm.at[b, pl.ds(0, 1)])


def _sc_main(x_, dropi, keepi, wsb, wt):
    mesh = plsc.VectorSubcoreMesh(core_axis_name="c", subcore_axis_name="s")
    run = functools.partial(
        pl.kernel,
        mesh=mesh,
        out_type=jax.ShapeDtypeStruct((B, N + 1, C), jnp.float32),
        scratch_types=[
            pltpu.VMEM((PD, C), jnp.float32),
            pltpu.VMEM((PD,), jnp.int32),
            pltpu.VMEM((PD,), jnp.float32),
            pltpu.VMEM((PD, 16), jnp.float32),
            pltpu.VMEM((1, C), jnp.float32),
            pltpu.VMEM((NSEG, C), jnp.float32),
            pltpu.VMEM((1, C), jnp.float32),
            pltpu.VMEM((2, C), jnp.float32),
            pltpu.VMEM((1, C), jnp.float32),
            pltpu.VMEM_SHARED((NSUB, C), jnp.float32),
            pltpu.SemaphoreType.DMA,
        ],
        compiler_params=pltpu.CompilerParams(
            use_tc_tiling_on_sc=False, needs_layout_passes=False),
    )(_sc_body)
    return run(x_, dropi, keepi, wsb, wt)


def kernel(x_, global_attn, ori_indices, w0, w1):
    dropi, keepi, wsb = _prep(global_attn)
    wt = jnp.stack([w0, w1])
    return _sc_main(x_, dropi, keepi, wsb, wt)

# --- scband reference (transcript-rebuilt; emitter-appended) ---
"""Pipeline reference for scband-stage-module-30202210025652 (READ-ONLY COPY).

The authoritative reference and input builder live on the scoring server;
editing this copy changes nothing except your own understanding.
"""

import jax, jax.numpy as jnp
import numpy as np

B, N, C = 4, 2048, 768
PRUNE = 0.5


def setup_inputs(seed: int = 0) -> dict:
    key = jax.random.key(seed)
    k1, k2, k3, k4 = jax.random.split(key, 4)
    x_ = jax.random.normal(k1, (B, N + 1, C), dtype=jnp.float32)
    global_attn = jax.random.uniform(k2, (B, N), dtype=jnp.float32)
    ori_indices = jnp.tile(jnp.arange(N, dtype=jnp.float32)[None, :], (B, 1))
    # learned per-block diagonal weights for the two inner blocks (stand-in for self.m)
    w0 = jax.random.normal(k3, (C,), dtype=jnp.float32) * 0.02
    w1 = jax.random.normal(k4, (C,), dtype=jnp.float32) * 0.02
    return {"x_": x_, "global_attn": global_attn, "ori_indices": ori_indices, "w0": w0, "w1": w1}


def _easy_gather(x, indices):
    # x: [B, N, C'], indices: [B, N] -> [B, N, C']
    return jnp.take_along_axis(x, indices[:, :, None], axis=1)


def _merge_tokens(x_drop, score):
    weight = score / jnp.sum(score, axis=1, keepdims=True)
    x_drop = weight[:, :, None] * x_drop
    return jnp.sum(x_drop, axis=1, keepdims=True)


def _block(x, w):
    # lightweight residual block: returns (x_out, raw) like blk(x) -> (x, raw)
    raw = jnp.tanh(x * w[None, None, :])
    return x + raw, raw


def reference(x_, global_attn, ori_indices, w0, w1):
    x = x_[:, 1:]
    n = x.shape[1]
    n_keep = int(n * PRUNE)
    # argsort descending on attention scores
    indices = jnp.argsort(-global_attn, axis=1)
    x_ga_oi = jnp.concatenate([x, global_attn[:, :, None], ori_indices[:, :, None]], axis=-1)
    x_ga_oi = _easy_gather(x_ga_oi, indices)
    x_sorted = x_ga_oi[:, :, :-2]
    ga = x_ga_oi[:, :, -2]
    # eval-mode write-back x_[:, 1:] = x_sorted
    x_full = jnp.concatenate([x_[:, :1], x_sorted], axis=1)
    xk = x_full[:, : n_keep + 1]
    x_drop = x_full[:, n_keep + 1 :]
    merge_weight = ga[:, n_keep:]
    add_token = _merge_tokens(x_drop, merge_weight)
    xk = jnp.concatenate([xk, add_token], axis=1)
    raw_total = jnp.zeros((xk.shape[0], 1, xk.shape[2]), dtype=xk.dtype)
    for w in (w0, w1):
        xk, raw = _block(xk, w)
        raw_total = raw_total + raw[:, -1:]
    x_drop = x_drop + jnp.broadcast_to(raw_total, x_drop.shape)
    xk = xk[:, :-1]
    # eval-mode write-back: x_[:, :n_keep+1] = xk; x_[:, n_keep+1:] = x_drop
    out = jnp.concatenate([xk, x_drop], axis=1)
    return out

if __name__ == "__main__":
    import jax
    _d = setup_inputs()
    print(jax.jit(kernel)(*tuple(_d.values())))

</pallas_src>

<mosaic_0001>
#map = affine_map<(d0, d1) -> (0, 0, 0)>
#map1 = affine_map<(d0, d1) -> (0)>
#map2 = affine_map<(d0, d1) -> (0, 0)>
module attributes {stable_mosaic.version = 14 : i64} {
  func.func @_sc_body(%arg0: i32, %arg1: i32, %arg2: memref<4x2049x768xf32, #tpu.memory_space<hbm>>, %arg3: memref<4096xi32, #tpu.memory_space<hbm>>, %arg4: memref<4096xi32, #tpu.memory_space<hbm>>, %arg5: memref<4096xf32, #tpu.memory_space<hbm>>, %arg6: memref<2x768xf32, #tpu.memory_space<hbm>>, %arg7: memref<4x2049x768xf32, #tpu.memory_space<hbm>>, %arg8: memref<128x768xf32, #tpu.memory_space<vmem>>, %arg9: memref<128xi32, #tpu.memory_space<vmem>>, %arg10: memref<128xf32, #tpu.memory_space<vmem>>, %arg11: memref<128x16xf32, #tpu.memory_space<vmem>>, %arg12: memref<1x768xf32, #tpu.memory_space<vmem>>, %arg13: memref<8x768xf32, #tpu.memory_space<vmem>>, %arg14: memref<1x768xf32, #tpu.memory_space<vmem>>, %arg15: memref<2x768xf32, #tpu.memory_space<vmem>>, %arg16: memref<1x768xf32, #tpu.memory_space<vmem>>, %arg17: memref<16x768xf32, #tpu.memory_space<vmem_shared>>, %arg18: memref<!tpu.dma_semaphore, #tpu.memory_space<semaphore_mem>>) attributes {dimension_semantics = [#tpu.dimension_semantics<core_parallel>, #tpu.dimension_semantics<subcore_parallel>], iteration_bounds = array<i64: 2, 16>, scalar_prefetch = 0 : i64, scratch_operands = 11 : i64, tpu.core_type = #tpu.core_type<sc_vector_subcore>, window_params = [{transform_indices = #map}, {transform_indices = #map1}, {transform_indices = #map1}, {transform_indices = #map1}, {transform_indices = #map2}, {transform_indices = #map}]} {
    %jit3A = arith.constant 8 : i32
    %div3A = arith.divsi %arg1, %jit3A : i32
    %sign3A = arith.constant 0 : i32
    %sign3A_0 = arith.cmpi sgt, %arg1, %sign3A : i32
    %sign3A_1 = arith.extui %sign3A_0 : i1 to i32
    %sign3A_2 = arith.constant 0 : i32
    %sign3A_3 = arith.cmpi slt, %arg1, %sign3A_2 : i32
    %sign3A_4 = arith.extui %sign3A_3 : i1 to i32
    %sign3A_5 = arith.subi %sign3A_1, %sign3A_4 : i32
    %sign3A_6 = arith.constant 0 : i32
    %sign3A_7 = arith.cmpi sgt, %jit3A, %sign3A_6 : i32
    %sign3A_8 = arith.extui %sign3A_7 : i1 to i32
    %sign3A_9 = arith.constant 0 : i32
    %sign3A_10 = arith.cmpi slt, %jit3A, %sign3A_9 : i32
    %sign3A_11 = arith.extui %sign3A_10 : i1 to i32
    %sign3A_12 = arith.subi %sign3A_8, %sign3A_11 : i32
    %ne3A = arith.cmpi ne, %sign3A_5, %sign3A_12 : i32
    %rem3A = arith.remsi %arg1, %jit3A : i32
    %ne3A_13 = arith.constant 0 : i32
    %ne3A_14 = arith.cmpi ne, %rem3A, %ne3A_13 : i32
    %and3A = arith.andi %ne3A, %ne3A_14 : i1
    %sub3A = arith.constant 1 : i32
    %sub3A_15 = arith.subi %div3A, %sub3A : i32
    %select_n3A = arith.select %and3A, %sub3A_15, %div3A : i32
    %mul3A = arith.constant 8 : i32
    %mul3A_16 = arith.muli %select_n3A, %mul3A : i32
    %sub3A_17 = arith.subi %arg1, %mul3A_16 : i32
    %mul3A_18 = arith.constant 2 : i32
    %mul3A_19 = arith.muli %mul3A_18, %arg0 : i32
    %add3A = arith.addi %mul3A_19, %select_n3A : i32
    %mul3A_20 = arith.constant 1024 : i32
    %mul3A_21 = arith.muli %add3A, %mul3A_20 : i32
    %mul3A_22 = arith.constant 128 : i32
    %mul3A_23 = arith.muli %sub3A_17, %mul3A_22 : i32
    %add3A_24 = arith.addi %mul3A_21, %mul3A_23 : i32
    %mul3A_25 = arith.constant 2049 : i32
    %mul3A_26 = arith.muli %add3A, %mul3A_25 : i32
    "tpu.region"() ({
      %run_scoped3A = tpu.sem_alloc : memref<!tpu.dma_semaphore, #tpu.memory_space<semaphore_mem>>
      tpu.enqueue_dma source(%arg6 : memref<2x768xf32, #tpu.memory_space<hbm>>) target(%arg15 : memref<2x768xf32, #tpu.memory_space<vmem>>) target_semaphore(%run_scoped3A : memref<!tpu.dma_semaphore, #tpu.memory_space<semaphore_mem>>)
      tpu.wait_dma2 semaphore(%run_scoped3A : memref<!tpu.dma_semaphore, #tpu.memory_space<semaphore_mem>>) src(%arg6 : memref<2x768xf32, #tpu.memory_space<hbm>>) dst(%arg15 : memref<2x768xf32, #tpu.memory_space<vmem>>)
      tpu.yield
    }) : () -> ()
    "tpu.region"() ({
      %run_scoped3A = tpu.sem_alloc : memref<!tpu.dma_semaphore, #tpu.memory_space<semaphore_mem>>
      %dma_start3A_104 = tpu.memref_slice %arg3[%add3A_24] : memref<4096xi32, #tpu.memory_space<hbm>> -> memref<128xi32, #tpu.memory_space<hbm>>
      %dma_start3A_105 = tpu.memref_slice %arg3[%add3A_24] : memref<4096xi32, #tpu.memory_space<hbm>> -> memref<128xi32, #tpu.memory_space<hbm>>
      tpu.enqueue_dma source(%dma_start3A_105 : memref<128xi32, #tpu.memory_space<hbm>>) target(%arg9 : memref<128xi32, #tpu.memory_space<vmem>>) target_semaphore(%run_scoped3A : memref<!tpu.dma_semaphore, #tpu.memory_space<semaphore_mem>>)
      %dma_wait3A_106 = tpu.memref_slice %arg3[%add3A_24] : memref<4096xi32, #tpu.memory_space<hbm>> -> memref<128xi32, #tpu.memory_space<hbm>>
      %dma_wait3A_107 = tpu.memref_slice %arg3[%add3A_24] : memref<4096xi32, #tpu.memory_space<hbm>> -> memref<128xi32, #tpu.memory_space<hbm>>
      tpu.wait_dma2 semaphore(%run_scoped3A : memref<!tpu.dma_semaphore, #tpu.memory_space<semaphore_mem>>) src(%dma_wait3A_107 : memref<128xi32, #tpu.memory_space<hbm>>) dst(%arg9 : memref<128xi32, #tpu.memory_space<vmem>>)
      tpu.yield
    }) : () -> ()
    "tpu.region"() ({
      %run_scoped3A = tpu.sem_alloc : memref<!tpu.dma_semaphore, #tpu.memory_space<semaphore_mem>>
      %dma_start3A_104 = tpu.memref_slice %arg5[%add3A_24] : memref<4096xf32, #tpu.memory_space<hbm>> -> memref<128xf32, #tpu.memory_space<hbm>>
      %dma_start3A_105 = tpu.memref_slice %arg5[%add3A_24] : memref<4096xf32, #tpu.memory_space<hbm>> -> memref<128xf32, #tpu.memory_space<hbm>>
      tpu.enqueue_dma source(%dma_start3A_105 : memref<128xf32, #tpu.memory_space<hbm>>) target(%arg10 : memref<128xf32, #tpu.memory_space<vmem>>) target_semaphore(%run_scoped3A : memref<!tpu.dma_semaphore, #tpu.memory_space<semaphore_mem>>)
      %dma_wait3A_106 = tpu.memref_slice %arg5[%add3A_24] : memref<4096xf32, #tpu.memory_space<hbm>> -> memref<128xf32, #tpu.memory_space<hbm>>
      %dma_wait3A_107 = tpu.memref_slice %arg5[%add3A_24] : memref<4096xf32, #tpu.memory_space<hbm>> -> memref<128xf32, #tpu.memory_space<hbm>>
      tpu.wait_dma2 semaphore(%run_scoped3A : memref<!tpu.dma_semaphore, #tpu.memory_space<semaphore_mem>>) src(%dma_wait3A_107 : memref<128xf32, #tpu.memory_space<hbm>>) dst(%arg10 : memref<128xf32, #tpu.memory_space<vmem>>)
      tpu.yield
    }) : () -> ()
    %broadcast_in_dim3A = arith.constant 0.000000e+00 : f32
    %broadcast_in_dim3A_27 = vector.broadcast %broadcast_in_dim3A : f32 to vector<16xf32>
    %dma_start3A = arith.constant 0 : i32
    %dma_start3A_28 = arith.constant 0 : i32
    %dma_start3A_29 = tpu.memref_slice %arg2[%add3A, %dma_start3A, %dma_start3A_28] : memref<4x2049x768xf32, #tpu.memory_space<hbm>> -> memref<1x2049x768xf32, #tpu.memory_space<hbm>>
    %dma_start3A_30 = tpu.memref_squeeze %dma_start3A_29 : memref<1x2049x768xf32, #tpu.memory_space<hbm>> -> memref<2049x768xf32, #tpu.memory_space<hbm>>
    %dma_start3A_31 = arith.constant 0 : i32
    %dma_start3A_32 = arith.constant 0 : i32
    %dma_start3A_33 = tpu.memref_slice %dma_start3A_30[%dma_start3A_31, %dma_start3A_32] : memref<2049x768xf32, #tpu.memory_space<hbm>> -> memref<2049x768xf32, #tpu.memory_space<hbm>>
    tpu.enqueue_indirect_dma source(%dma_start3A_33 : memref<2049x768xf32, #tpu.memory_space<hbm>>) target(%arg8 : memref<128x768xf32, #tpu.memory_space<vmem>>) offsets(%arg9 : memref<128xi32, #tpu.memory_space<vmem>>) semaphore(%arg18 : memref<!tpu.dma_semaphore, #tpu.memory_space<semaphore_mem>>)
    %parallel_loop3A = arith.constant 0 : i32
    %parallel_loop3A_34 = arith.constant 128 : i32
    %parallel_loop3A_35 = arith.constant 1 : i32
    scf.for %parallel_loop3A_104 = %parallel_loop3A to %parallel_loop3A_34 step %parallel_loop3A_35  : i32 {
      %parallel_loop3A_105 = arith.constant 16 : i32
      %parallel_loop3A_106 = arith.divsi %parallel_loop3A_104, %parallel_loop3A_105 : i32
      %parallel_loop3A_107 = arith.constant 0 : i32
      %parallel_loop3A_108 = arith.cmpi sgt, %parallel_loop3A_104, %parallel_loop3A_107 : i32
      %parallel_loop3A_109 = arith.extui %parallel_loop3A_108 : i1 to i32
      %parallel_loop3A_110 = arith.constant 0 : i32
      %parallel_loop3A_111 = arith.cmpi slt, %parallel_loop3A_104, %parallel_loop3A_110 : i32
      %parallel_loop3A_112 = arith.extui %parallel_loop3A_111 : i1 to i32
      %parallel_loop3A_113 = arith.subi %parallel_loop3A_109, %parallel_loop3A_112 : i32
      %parallel_loop3A_114 = arith.constant 0 : i32
      %parallel_loop3A_115 = arith.cmpi sgt, %parallel_loop3A_105, %parallel_loop3A_114 : i32
      %parallel_loop3A_116 = arith.extui %parallel_loop3A_115 : i1 to i32
      %parallel_loop3A_117 = arith.constant 0 : i32
      %parallel_loop3A_118 = arith.cmpi slt, %parallel_loop3A_105, %parallel_loop3A_117 : i32
      %parallel_loop3A_119 = arith.extui %parallel_loop3A_118 : i1 to i32
      %parallel_loop3A_120 = arith.subi %parallel_loop3A_116, %parallel_loop3A_119 : i32
      %parallel_loop3A_121 = arith.cmpi ne, %parallel_loop3A_113, %parallel_loop3A_120 : i32
      %parallel_loop3A_122 = arith.remsi %parallel_loop3A_104, %parallel_loop3A_105 : i32
      %parallel_loop3A_123 = arith.constant 0 : i32
      %parallel_loop3A_124 = arith.cmpi ne, %parallel_loop3A_122, %parallel_loop3A_123 : i32
      %parallel_loop3A_125 = arith.andi %parallel_loop3A_121, %parallel_loop3A_124 : i1
      %parallel_loop3A_126 = arith.constant 1 : i32
      %parallel_loop3A_127 = arith.subi %parallel_loop3A_106, %parallel_loop3A_126 : i32
      %parallel_loop3A_128 = arith.select %parallel_loop3A_125, %parallel_loop3A_127, %parallel_loop3A_106 : i32
      %parallel_loop3A_129 = arith.constant 16 : i32
      %parallel_loop3A_130 = arith.muli %parallel_loop3A_128, %parallel_loop3A_129 : i32
      %parallel_loop3A_131 = tpu.assume_multiple %parallel_loop3A_130, 16 : i32
      %parallel_loop3A_132 = arith.index_cast %parallel_loop3A_131 : i32 to index
      %parallel_loop3A_133 = tpu.vector_load %arg10[%parallel_loop3A_132] {strides = array<i32>} : memref<128xf32, #tpu.memory_space<vmem>>, vector<16xf32>,
      %parallel_loop3A_134 = arith.subi %parallel_loop3A_104, %parallel_loop3A_130 : i32
      %parallel_loop3A_135 = tpu.iota {dimensions = array<i32: 0>} : vector<16xi32>
      %parallel_loop3A_136 = vector.broadcast %parallel_loop3A_134 : i32 to vector<16xi32>
      %parallel_loop3A_137 = arith.cmpi eq, %parallel_loop3A_135, %parallel_loop3A_136 : vector<16xi32>
      %parallel_loop3A_138 = arith.constant 0.000000e+00 : f32
      %parallel_loop3A_139 = vector.broadcast %parallel_loop3A_138 : f32 to vector<16xf32>
      %parallel_loop3A_140 = arith.select %parallel_loop3A_137, %parallel_loop3A_133, %parallel_loop3A_139 : vector<16xi1>, vector<16xf32>
      %parallel_loop3A_141 = arith.constant true
      %parallel_loop3A_142 = vector.broadcast %parallel_loop3A_141 : i1 to vector<16xi1>
      %parallel_loop3A_143 = tpu.scan <sum>, %parallel_loop3A_140 masked %parallel_loop3A_142 : vector<16xf32>, vector<16xi1> -> vector<16xf32>
      %parallel_loop3A_144 = vector.extract %parallel_loop3A_143[15] : f32 from vector<16xf32>
      %parallel_loop3A_145 = vector.broadcast %parallel_loop3A_144 : f32 to vector<16xf32>
      %parallel_loop3A_146 = arith.index_cast %parallel_loop3A_104 : i32 to index
      %parallel_loop3A_147 = arith.constant 0 : index
      %parallel_loop3A_148 = tpu.vector_load %arg11[%parallel_loop3A_146, %parallel_loop3A_147] {strides = array<i32>} : memref<128x16xf32, #tpu.memory_space<vmem>>, vector<16xf32>,
      tpu.vector_store %arg11[%parallel_loop3A_146, %parallel_loop3A_147], %parallel_loop3A_145 {strides = array<i32>} : memref<128x16xf32, #tpu.memory_space<vmem>>, vector<16xf32>,
    } {sc.loop_unroll_factor = 2 : i64, sc.parallel_access}
    %dma_wait3A = arith.constant 0 : i32
    %dma_wait3A_36 = arith.constant 0 : i32
    %dma_wait3A_37 = tpu.memref_slice %arg2[%add3A, %dma_wait3A, %dma_wait3A_36] : memref<4x2049x768xf32, #tpu.memory_space<hbm>> -> memref<1x2049x768xf32, #tpu.memory_space<hbm>>
    %dma_wait3A_38 = tpu.memref_squeeze %dma_wait3A_37 : memref<1x2049x768xf32, #tpu.memory_space<hbm>> -> memref<2049x768xf32, #tpu.memory_space<hbm>>
    %dma_wait3A_39 = arith.constant 0 : i32
    %dma_wait3A_40 = arith.constant 0 : i32
    %dma_wait3A_41 = tpu.memref_slice %dma_wait3A_38[%dma_wait3A_39, %dma_wait3A_40] : memref<2049x768xf32, #tpu.memory_space<hbm>> -> memref<2049x768xf32, #tpu.memory_space<hbm>>
    tpu.wait_indirect_dma semaphore(%arg18 : memref<!tpu.dma_semaphore, #tpu.memory_space<semaphore_mem>>) src(%dma_wait3A_41 : memref<2049x768xf32, #tpu.memory_space<hbm>>) dst(%arg8 : memref<128x768xf32, #tpu.memory_space<vmem>>)
    %parallel_loop3A_42 = arith.constant 0 : i32
    %parallel_loop3A_43 = arith.constant 48 : i32
    %parallel_loop3A_44 = arith.constant 1 : i32
    scf.for %parallel_loop3A_104 = %parallel_loop3A_42 to %parallel_loop3A_43 step %parallel_loop3A_44  : i32 {
      %parallel_loop3A_105 = arith.constant 16 : i32
      %parallel_loop3A_106 = arith.muli %parallel_loop3A_104, %parallel_loop3A_105 : i32
      %parallel_loop3A_107 = tpu.assume_multiple %parallel_loop3A_106, 16 : i32
      %parallel_loop3A_108 = arith.constant 0 : i32
      %parallel_loop3A_109 = arith.constant 32 : i32
      %parallel_loop3A_110 = arith.addi %parallel_loop3A_108, %parallel_loop3A_109 : i32
      %parallel_loop3A_111 = arith.constant 1 : i32
      %parallel_loop3A_112:4 = scf.for %scan3A = %parallel_loop3A_108 to %parallel_loop3A_110 step %parallel_loop3A_111 iter_args(%scan3A_121 = %broadcast_in_dim3A_27, %scan3A_122 = %broadcast_in_dim3A_27, %scan3A_123 = %broadcast_in_dim3A_27, %scan3A_124 = %broadcast_in_dim3A_27) -> (vector<16xf32>, vector<16xf32>, vector<16xf32>, vector<16xf32>)  : i32 {
        %parallel_loop3A_125 = arith.constant 4 : i32
        %parallel_loop3A_126 = arith.muli %parallel_loop3A_125, %scan3A : i32
        %parallel_loop3A_127 = arith.index_cast %parallel_loop3A_126 : i32 to index
        %parallel_loop3A_128 = arith.constant 0 : index
        %parallel_loop3A_129 = tpu.vector_load %arg11[%parallel_loop3A_127, %parallel_loop3A_128] {strides = array<i32>} : memref<128x16xf32, #tpu.memory_space<vmem>>, vector<16xf32>,
        %parallel_loop3A_130 = arith.index_cast %parallel_loop3A_126 : i32 to index
        %parallel_loop3A_131 = arith.index_cast %parallel_loop3A_107 : i32 to index
        %parallel_loop3A_132 = tpu.vector_load %arg8[%parallel_loop3A_130, %parallel_loop3A_131] {strides = array<i32>} : memref<128x768xf32, #tpu.memory_space<vmem>>, vector<16xf32>,
        %parallel_loop3A_133 = arith.mulf %parallel_loop3A_129, %parallel_loop3A_132 : vector<16xf32>
        %parallel_loop3A_134 = arith.addf %scan3A_121, %parallel_loop3A_133 : vector<16xf32>
        %parallel_loop3A_135 = arith.constant 1 : i32
        %parallel_loop3A_136 = arith.addi %parallel_loop3A_126, %parallel_loop3A_135 : i32
        %parallel_loop3A_137 = arith.index_cast %parallel_loop3A_136 : i32 to index
        %parallel_loop3A_138 = arith.constant 0 : index
        %parallel_loop3A_139 = tpu.vector_load %arg11[%parallel_loop3A_137, %parallel_loop3A_138] {strides = array<i32>} : memref<128x16xf32, #tpu.memory_space<vmem>>, vector<16xf32>,
        %parallel_loop3A_140 = arith.constant 1 : i32
        %parallel_loop3A_141 = arith.addi %parallel_loop3A_126, %parallel_loop3A_140 : i32
        %parallel_loop3A_142 = arith.index_cast %parallel_loop3A_141 : i32 to index
        %parallel_loop3A_143 = arith.index_cast %parallel_loop3A_107 : i32 to index
        %parallel_loop3A_144 = tpu.vector_load %arg8[%parallel_loop3A_142, %parallel_loop3A_143] {strides = array<i32>} : memref<128x768xf32, #tpu.memory_space<vmem>>, vector<16xf32>,
        %parallel_loop3A_145 = arith.mulf %parallel_loop3A_139, %parallel_loop3A_144 : vector<16xf32>
        %parallel_loop3A_146 = arith.addf %scan3A_122, %parallel_loop3A_145 : vector<16xf32>
        %parallel_loop3A_147 = arith.constant 2 : i32
        %parallel_loop3A_148 = arith.addi %parallel_loop3A_126, %parallel_loop3A_147 : i32
        %parallel_loop3A_149 = arith.index_cast %parallel_loop3A_148 : i32 to index
        %parallel_loop3A_150 = arith.constant 0 : index
        %parallel_loop3A_151 = tpu.vector_load %arg11[%parallel_loop3A_149, %parallel_loop3A_150] {strides = array<i32>} : memref<128x16xf32, #tpu.memory_space<vmem>>, vector<16xf32>,
        %parallel_loop3A_152 = arith.constant 2 : i32
        %parallel_loop3A_153 = arith.addi %parallel_loop3A_126, %parallel_loop3A_152 : i32
        %parallel_loop3A_154 = arith.index_cast %parallel_loop3A_153 : i32 to index
        %parallel_loop3A_155 = arith.index_cast %parallel_loop3A_107 : i32 to index
        %parallel_loop3A_156 = tpu.vector_load %arg8[%parallel_loop3A_154, %parallel_loop3A_155] {strides = array<i32>} : memref<128x768xf32, #tpu.memory_space<vmem>>, vector<16xf32>,
        %parallel_loop3A_157 = arith.mulf %parallel_loop3A_151, %parallel_loop3A_156 : vector<16xf32>
        %parallel_loop3A_158 = arith.addf %scan3A_123, %parallel_loop3A_157 : vector<16xf32>
        %parallel_loop3A_159 = arith.constant 3 : i32
        %parallel_loop3A_160 = arith.addi %parallel_loop3A_126, %parallel_loop3A_159 : i32
        %parallel_loop3A_161 = arith.index_cast %parallel_loop3A_160 : i32 to index
        %parallel_loop3A_162 = arith.constant 0 : index
        %parallel_loop3A_163 = tpu.vector_load %arg11[%parallel_loop3A_161, %parallel_loop3A_162] {strides = array<i32>} : memref<128x16xf32, #tpu.memory_space<vmem>>, vector<16xf32>,
        %parallel_loop3A_164 = arith.constant 3 : i32
        %parallel_loop3A_165 = arith.addi %parallel_loop3A_126, %parallel_loop3A_164 : i32
        %parallel_loop3A_166 = arith.index_cast %parallel_loop3A_165 : i32 to index
        %parallel_loop3A_167 = arith.index_cast %parallel_loop3A_107 : i32 to index
        %parallel_loop3A_168 = tpu.vector_load %arg8[%parallel_loop3A_166, %parallel_loop3A_167] {strides = array<i32>} : memref<128x768xf32, #tpu.memory_space<vmem>>, vector<16xf32>,
        %parallel_loop3A_169 = arith.mulf %parallel_loop3A_163, %parallel_loop3A_168 : vector<16xf32>
        %parallel_loop3A_170 = arith.addf %scan3A_124, %parallel_loop3A_169 : vector<16xf32>
        scf.yield %parallel_loop3A_134, %parallel_loop3A_146, %parallel_loop3A_158, %parallel_loop3A_170 : vector<16xf32>, vector<16xf32>, vector<16xf32>, vector<16xf32>
      }
      %parallel_loop3A_113 = arith.constant 32 : i32
      %parallel_loop3A_114 = arith.addf %parallel_loop3A_112#0, %parallel_loop3A_112#1 : vector<16xf32>
      %parallel_loop3A_115 = arith.addf %parallel_loop3A_112#2, %parallel_loop3A_112#3 : vector<16xf32>
      %parallel_loop3A_116 = arith.addf %parallel_loop3A_114, %parallel_loop3A_115 : vector<16xf32>
      %parallel_loop3A_117 = arith.constant 0 : i32
      %parallel_loop3A_118 = arith.index_cast %parallel_loop3A_117 : i32 to index
      %parallel_loop3A_119 = arith.index_cast %parallel_loop3A_107 : i32 to index
      %parallel_loop3A_120 = tpu.vector_load %arg12[%parallel_loop3A_118, %parallel_loop3A_119] {strides = array<i32>} : memref<1x768xf32, #tpu.memory_space<vmem>>, vector<16xf32>,
      tpu.vector_store %arg12[%parallel_loop3A_118, %parallel_loop3A_119], %parallel_loop3A_116 {strides = array<i32>} : memref<1x768xf32, #tpu.memory_space<vmem>>, vector<16xf32>,
    } {sc.loop_unroll_factor = 2 : i64, sc.parallel_access}
    "tpu.region"() ({
      %run_scoped3A = tpu.sem_alloc : memref<!tpu.dma_semaphore, #tpu.memory_space<semaphore_mem>>
      %dma_start3A_104 = arith.constant 0 : i32
      %dma_start3A_105 = tpu.memref_slice %arg17[%arg1, %dma_start3A_104] : memref<16x768xf32, #tpu.memory_space<vmem_shared>> -> memref<1x768xf32, #tpu.memory_space<vmem_shared>>
      %dma_start3A_106 = arith.constant 0 : i32
      %dma_start3A_107 = tpu.memref_slice %arg17[%arg1, %dma_start3A_106] : memref<16x768xf32, #tpu.memory_space<vmem_shared>> -> memref<1x768xf32, #tpu.memory_space<vmem_shared>>
      tpu.enqueue_dma source(%arg12 : memref<1x768xf32, #tpu.memory_space<vmem>>) target(%dma_start3A_107 : memref<1x768xf32, #tpu.memory_space<vmem_shared>>) target_semaphore(%run_scoped3A : memref<!tpu.dma_semaphore, #tpu.memory_space<semaphore_mem>>)
      %dma_wait3A_108 = arith.constant 0 : i32
      %dma_wait3A_109 = tpu.memref_slice %arg17[%arg1, %dma_wait3A_108] : memref<16x768xf32, #tpu.memory_space<vmem_shared>> -> memref<1x768xf32, #tpu.memory_space<vmem_shared>>
      %dma_wait3A_110 = arith.constant 0 : i32
      %dma_wait3A_111 = tpu.memref_slice %arg17[%arg1, %dma_wait3A_110] : memref<16x768xf32, #tpu.memory_space<vmem_shared>> -> memref<1x768xf32, #tpu.memory_space<vmem_shared>>
      tpu.wait_dma2 semaphore(%run_scoped3A : memref<!tpu.dma_semaphore, #tpu.memory_space<semaphore_mem>>) src(%arg12 : memref<1x768xf32, #tpu.memory_space<vmem>>) dst(%dma_wait3A_111 : memref<1x768xf32, #tpu.memory_space<vmem_shared>>)
      tpu.yield
    }) : () -> ()
    %barrier3A = arith.constant 0 : index
    tpu.barrier barrier_id(%barrier3A)
    %mul3A_45 = arith.constant 8 : i32
    %mul3A_46 = arith.muli %select_n3A, %mul3A_45 : i32
    "tpu.region"() ({
      %run_scoped3A = tpu.sem_alloc : memref<!tpu.dma_semaphore, #tpu.memory_space<semaphore_mem>>
      %dma_start3A_104 = arith.constant 0 : i32
      %dma_start3A_105 = tpu.memref_slice %arg17[%mul3A_46, %dma_start3A_104] : memref<16x768xf32, #tpu.memory_space<vmem_shared>> -> memref<8x768xf32, #tpu.memory_space<vmem_shared>>
      %dma_start3A_106 = arith.constant 0 : i32
      %dma_start3A_107 = tpu.memref_slice %arg17[%mul3A_46, %dma_start3A_106] : memref<16x768xf32, #tpu.memory_space<vmem_shared>> -> memref<8x768xf32, #tpu.memory_space<vmem_shared>>
      tpu.enqueue_dma source(%dma_start3A_107 : memref<8x768xf32, #tpu.memory_space<vmem_shared>>) target(%arg13 : memref<8x768xf32, #tpu.memory_space<vmem>>) target_semaphore(%run_scoped3A : memref<!tpu.dma_semaphore, #tpu.memory_space<semaphore_mem>>)
      %dma_wait3A_108 = arith.constant 0 : i32
      %dma_wait3A_109 = tpu.memref_slice %arg17[%mul3A_46, %dma_wait3A_108] : memref<16x768xf32, #tpu.memory_space<vmem_shared>> -> memref<8x768xf32, #tpu.memory_space<vmem_shared>>
      %dma_wait3A_110 = arith.constant 0 : i32
      %dma_wait3A_111 = tpu.memref_slice %arg17[%mul3A_46, %dma_wait3A_110] : memref<16x768xf32, #tpu.memory_space<vmem_shared>> -> memref<8x768xf32, #tpu.memory_space<vmem_shared>>
      tpu.wait_dma2 semaphore(%run_scoped3A : memref<!tpu.dma_semaphore, #tpu.memory_space<semaphore_mem>>) src(%dma_wait3A_111 : memref<8x768xf32, #tpu.memory_space<vmem_shared>>) dst(%arg13 : memref<8x768xf32, #tpu.memory_space<vmem>>)
      tpu.yield
    }) : () -> ()
    %parallel_loop3A_47 = arith.constant 0 : i32
    %parallel_loop3A_48 = arith.constant 48 : i32
    %parallel_loop3A_49 = arith.constant 1 : i32
    scf.for %parallel_loop3A_104 = %parallel_loop3A_47 to %parallel_loop3A_48 step %parallel_loop3A_49  : i32 {
      %parallel_loop3A_105 = arith.constant 16 : i32
      %parallel_loop3A_106 = arith.muli %parallel_loop3A_104, %parallel_loop3A_105 : i32
      %parallel_loop3A_107 = tpu.assume_multiple %parallel_loop3A_106, 16 : i32
      %parallel_loop3A_108 = arith.constant 0 : i32
      %parallel_loop3A_109 = arith.index_cast %parallel_loop3A_108 : i32 to index
      %parallel_loop3A_110 = arith.index_cast %parallel_loop3A_107 : i32 to index
      %parallel_loop3A_111 = tpu.vector_load %arg13[%parallel_loop3A_109, %parallel_loop3A_110] {strides = array<i32>} : memref<8x768xf32, #tpu.memory_space<vmem>>, vector<16xf32>,
      %parallel_loop3A_112 = arith.constant 1 : i32
      %parallel_loop3A_113 = arith.index_cast %parallel_loop3A_112 : i32 to index
      %parallel_loop3A_114 = arith.index_cast %parallel_loop3A_107 : i32 to index
      %parallel_loop3A_115 = tpu.vector_load %arg13[%parallel_loop3A_113, %parallel_loop3A_114] {strides = array<i32>} : memref<8x768xf32, #tpu.memory_space<vmem>>, vector<16xf32>,
      %parallel_loop3A_116 = arith.addf %parallel_loop3A_111, %parallel_loop3A_115 : vector<16xf32>
      %parallel_loop3A_117 = arith.constant 2 : i32
      %parallel_loop3A_118 = arith.index_cast %parallel_loop3A_117 : i32 to index
      %parallel_loop3A_119 = arith.index_cast %parallel_loop3A_107 : i32 to index
      %parallel_loop3A_120 = tpu.vector_load %arg13[%parallel_loop3A_118, %parallel_loop3A_119] {strides = array<i32>} : memref<8x768xf32, #tpu.memory_space<vmem>>, vector<16xf32>,
      %parallel_loop3A_121 = arith.addf %parallel_loop3A_116, %parallel_loop3A_120 : vector<16xf32>
      %parallel_loop3A_122 = arith.constant 3 : i32
      %parallel_loop3A_123 = arith.index_cast %parallel_loop3A_122 : i32 to index
      %parallel_loop3A_124 = arith.index_cast %parallel_loop3A_107 : i32 to index
      %parallel_loop3A_125 = tpu.vector_load %arg13[%parallel_loop3A_123, %parallel_loop3A_124] {strides = array<i32>} : memref<8x768xf32, #tpu.memory_space<vmem>>, vector<16xf32>,
      %parallel_loop3A_126 = arith.addf %parallel_loop3A_121, %parallel_loop3A_125 : vector<16xf32>
      %parallel_loop3A_127 = arith.constant 4 : i32
      %parallel_loop3A_128 = arith.index_cast %parallel_loop3A_127 : i32 to index
      %parallel_loop3A_129 = arith.index_cast %parallel_loop3A_107 : i32 to index
      %parallel_loop3A_130 = tpu.vector_load %arg13[%parallel_loop3A_128, %parallel_loop3A_129] {strides = array<i32>} : memref<8x768xf32, #tpu.memory_space<vmem>>, vector<16xf32>,
      %parallel_loop3A_131 = arith.addf %parallel_loop3A_126, %parallel_loop3A_130 : vector<16xf32>
      %parallel_loop3A_132 = arith.constant 5 : i32
      %parallel_loop3A_133 = arith.index_cast %parallel_loop3A_132 : i32 to index
      %parallel_loop3A_134 = arith.index_cast %parallel_loop3A_107 : i32 to index
      %parallel_loop3A_135 = tpu.vector_load %arg13[%parallel_loop3A_133, %parallel_loop3A_134] {strides = array<i32>} : memref<8x768xf32, #tpu.memory_space<vmem>>, vector<16xf32>,
      %parallel_loop3A_136 = arith.addf %parallel_loop3A_131, %parallel_loop3A_135 : vector<16xf32>
      %parallel_loop3A_137 = arith.constant 6 : i32
      %parallel_loop3A_138 = arith.index_cast %parallel_loop3A_137 : i32 to index
      %parallel_loop3A_139 = arith.index_cast %parallel_loop3A_107 : i32 to index
      %parallel_loop3A_140 = tpu.vector_load %arg13[%parallel_loop3A_138, %parallel_loop3A_139] {strides = array<i32>} : memref<8x768xf32, #tpu.memory_space<vmem>>, vector<16xf32>,
      %parallel_loop3A_141 = arith.addf %parallel_loop3A_136, %parallel_loop3A_140 : vector<16xf32>
      %parallel_loop3A_142 = arith.constant 7 : i32
      %parallel_loop3A_143 = arith.index_cast %parallel_loop3A_142 : i32 to index
      %parallel_loop3A_144 = arith.index_cast %parallel_loop3A_107 : i32 to index
      %parallel_loop3A_145 = tpu.vector_load %arg13[%parallel_loop3A_143, %parallel_loop3A_144] {strides = array<i32>} : memref<8x768xf32, #tpu.memory_space<vmem>>, vector<16xf32>,
      %parallel_loop3A_146 = arith.addf %parallel_loop3A_141, %parallel_loop3A_145 : vector<16xf32>
      %parallel_loop3A_147 = arith.constant 0 : i32
      %parallel_loop3A_148 = arith.index_cast %parallel_loop3A_147 : i32 to index
      %parallel_loop3A_149 = arith.index_cast %parallel_loop3A_107 : i32 to index
      %parallel_loop3A_150 = tpu.vector_load %arg15[%parallel_loop3A_148, %parallel_loop3A_149] {strides = array<i32>} : memref<2x768xf32, #tpu.memory_space<vmem>>, vector<16xf32>,
      %parallel_loop3A_151 = arith.mulf %parallel_loop3A_146, %parallel_loop3A_150 : vector<16xf32>
      %parallel_loop3A_152 = arith.constant -2.000000e+00 : f32
      %parallel_loop3A_153 = vector.broadcast %parallel_loop3A_152 : f32 to vector<16xf32>
      %parallel_loop3A_154 = arith.maximumf %parallel_loop3A_151, %parallel_loop3A_153 : vector<16xf32>
      %parallel_loop3A_155 = arith.constant 2.000000e+00 : f32
      %parallel_loop3A_156 = vector.broadcast %parallel_loop3A_155 : f32 to vector<16xf32>
      %parallel_loop3A_157 = arith.minimumf %parallel_loop3A_154, %parallel_loop3A_156 : vector<16xf32>
      %parallel_loop3A_158 = arith.mulf %parallel_loop3A_157, %parallel_loop3A_157 : vector<16xf32>
      %parallel_loop3A_159 = arith.constant 1.859810e-03 : f32
      %parallel_loop3A_160 = vector.broadcast %parallel_loop3A_159 : f32 to vector<16xf32>
      %parallel_loop3A_161 = arith.mulf %parallel_loop3A_160, %parallel_loop3A_158 : vector<16xf32>
      %parallel_loop3A_162 = arith.constant -0.0214048494 : f32
      %parallel_loop3A_163 = vector.broadcast %parallel_loop3A_162 : f32 to vector<16xf32>
      %parallel_loop3A_164 = arith.addf %parallel_loop3A_161, %parallel_loop3A_163 : vector<16xf32>
      %parallel_loop3A_165 = arith.mulf %parallel_loop3A_164, %parallel_loop3A_158 : vector<16xf32>
      %parallel_loop3A_166 = arith.constant 0.10470055 : f32
      %parallel_loop3A_167 = vector.broadcast %parallel_loop3A_166 : f32 to vector<16xf32>
      %parallel_loop3A_168 = arith.addf %parallel_loop3A_165, %parallel_loop3A_167 : vector<16xf32>
      %parallel_loop3A_169 = arith.mulf %parallel_loop3A_168, %parallel_loop3A_158 : vector<16xf32>
      %parallel_loop3A_170 = arith.constant -0.324308455 : f32
      %parallel_loop3A_171 = vector.broadcast %parallel_loop3A_170 : f32 to vector<16xf32>
      %parallel_loop3A_172 = arith.addf %parallel_loop3A_169, %parallel_loop3A_171 : vector<16xf32>
      %parallel_loop3A_173 = arith.mulf %parallel_loop3A_172, %parallel_loop3A_158 : vector<16xf32>
      %parallel_loop3A_174 = arith.constant 1.000000e+00 : f32
      %parallel_loop3A_175 = vector.broadcast %parallel_loop3A_174 : f32 to vector<16xf32>
      %parallel_loop3A_176 = arith.addf %parallel_loop3A_173, %parallel_loop3A_175 : vector<16xf32>
      %parallel_loop3A_177 = arith.mulf %parallel_loop3A_157, %parallel_loop3A_176 : vector<16xf32>
      %parallel_loop3A_178 = arith.addf %parallel_loop3A_146, %parallel_loop3A_177 : vector<16xf32>
      %parallel_loop3A_179 = arith.constant 1 : i32
      %parallel_loop3A_180 = arith.index_cast %parallel_loop3A_179 : i32 to index
      %parallel_loop3A_181 = arith.index_cast %parallel_loop3A_107 : i32 to index
      %parallel_loop3A_182 = tpu.vector_load %arg15[%parallel_loop3A_180, %parallel_loop3A_181] {strides = array<i32>} : memref<2x768xf32, #tpu.memory_space<vmem>>, vector<16xf32>,
      %parallel_loop3A_183 = arith.mulf %parallel_loop3A_178, %parallel_loop3A_182 : vector<16xf32>
      %parallel_loop3A_184 = arith.constant -2.000000e+00 : f32
      %parallel_loop3A_185 = vector.broadcast %parallel_loop3A_184 : f32 to vector<16xf32>
      %parallel_loop3A_186 = arith.maximumf %parallel_loop3A_183, %parallel_loop3A_185 : vector<16xf32>
      %parallel_loop3A_187 = arith.constant 2.000000e+00 : f32
      %parallel_loop3A_188 = vector.broadcast %parallel_loop3A_187 : f32 to vector<16xf32>
      %parallel_loop3A_189 = arith.minimumf %parallel_loop3A_186, %parallel_loop3A_188 : vector<16xf32>
      %parallel_loop3A_190 = arith.mulf %parallel_loop3A_189, %parallel_loop3A_189 : vector<16xf32>
      %parallel_loop3A_191 = arith.constant 1.859810e-03 : f32
      %parallel_loop3A_192 = vector.broadcast %parallel_loop3A_191 : f32 to vector<16xf32>
      %parallel_loop3A_193 = arith.mulf %parallel_loop3A_192, %parallel_loop3A_190 : vector<16xf32>
      %parallel_loop3A_194 = arith.constant -0.0214048494 : f32
      %parallel_loop3A_195 = vector.broadcast %parallel_loop3A_194 : f32 to vector<16xf32>
      %parallel_loop3A_196 = arith.addf %parallel_loop3A_193, %parallel_loop3A_195 : vector<16xf32>
      %parallel_loop3A_197 = arith.mulf %parallel_loop3A_196, %parallel_loop3A_190 : vector<16xf32>
      %parallel_loop3A_198 = arith.constant 0.10470055 : f32
      %parallel_loop3A_199 = vector.broadcast %parallel_loop3A_198 : f32 to vector<16xf32>
      %parallel_loop3A_200 = arith.addf %parallel_loop3A_197, %parallel_loop3A_199 : vector<16xf32>
      %parallel_loop3A_201 = arith.mulf %parallel_loop3A_200, %parallel_loop3A_190 : vector<16xf32>
      %parallel_loop3A_202 = arith.constant -0.324308455 : f32
      %parallel_loop3A_203 = vector.broadcast %parallel_loop3A_202 : f32 to vector<16xf32>
      %parallel_loop3A_204 = arith.addf %parallel_loop3A_201, %parallel_loop3A_203 : vector<16xf32>
      %parallel_loop3A_205 = arith.mulf %parallel_loop3A_204, %parallel_loop3A_190 : vector<16xf32>
      %parallel_loop3A_206 = arith.constant 1.000000e+00 : f32
      %parallel_loop3A_207 = vector.broadcast %parallel_loop3A_206 : f32 to vector<16xf32>
      %parallel_loop3A_208 = arith.addf %parallel_loop3A_205, %parallel_loop3A_207 : vector<16xf32>
      %parallel_loop3A_209 = arith.mulf %parallel_loop3A_189, %parallel_loop3A_208 : vector<16xf32>
      %parallel_loop3A_210 = arith.addf %parallel_loop3A_177, %parallel_loop3A_209 : vector<16xf32>
      %parallel_loop3A_211 = arith.constant 0 : i32
      %parallel_loop3A_212 = arith.index_cast %parallel_loop3A_211 : i32 to index
      %parallel_loop3A_213 = arith.index_cast %parallel_loop3A_107 : i32 to index
      %parallel_loop3A_214 = tpu.vector_load %arg14[%parallel_loop3A_212, %parallel_loop3A_213] {strides = array<i32>} : memref<1x768xf32, #tpu.memory_space<vmem>>, vector<16xf32>,
      tpu.vector_store %arg14[%parallel_loop3A_212, %parallel_loop3A_213], %parallel_loop3A_210 {strides = array<i32>} : memref<1x768xf32, #tpu.memory_space<vmem>>, vector<16xf32>,
    } {sc.loop_unroll_factor = 2 : i64, sc.parallel_access}
    %parallel_loop3A_50 = arith.constant 0 : i32
    %parallel_loop3A_51 = arith.constant 6144 : i32
    %parallel_loop3A_52 = arith.constant 1 : i32
    scf.for %parallel_loop3A_104 = %parallel_loop3A_50 to %parallel_loop3A_51 step %parallel_loop3A_52  : i32 {
      %parallel_loop3A_105 = arith.constant 48 : i32
      %parallel_loop3A_106 = arith.divsi %parallel_loop3A_104, %parallel_loop3A_105 : i32
      %parallel_loop3A_107 = arith.constant 0 : i32
      %parallel_loop3A_108 = arith.cmpi sgt, %parallel_loop3A_104, %parallel_loop3A_107 : i32
      %parallel_loop3A_109 = arith.extui %parallel_loop3A_108 : i1 to i32
      %parallel_loop3A_110 = arith.constant 0 : i32
      %parallel_loop3A_111 = arith.cmpi slt, %parallel_loop3A_104, %parallel_loop3A_110 : i32
      %parallel_loop3A_112 = arith.extui %parallel_loop3A_111 : i1 to i32
      %parallel_loop3A_113 = arith.subi %parallel_loop3A_109, %parallel_loop3A_112 : i32
      %parallel_loop3A_114 = arith.constant 0 : i32
      %parallel_loop3A_115 = arith.cmpi sgt, %parallel_loop3A_105, %parallel_loop3A_114 : i32
      %parallel_loop3A_116 = arith.extui %parallel_loop3A_115 : i1 to i32
      %parallel_loop3A_117 = arith.constant 0 : i32
      %parallel_loop3A_118 = arith.cmpi slt, %parallel_loop3A_105, %parallel_loop3A_117 : i32
      %parallel_loop3A_119 = arith.extui %parallel_loop3A_118 : i1 to i32
      %parallel_loop3A_120 = arith.subi %parallel_loop3A_116, %parallel_loop3A_119 : i32
      %parallel_loop3A_121 = arith.cmpi ne, %parallel_loop3A_113, %parallel_loop3A_120 : i32
      %parallel_loop3A_122 = arith.remsi %parallel_loop3A_104, %parallel_loop3A_105 : i32
      %parallel_loop3A_123 = arith.constant 0 : i32
      %parallel_loop3A_124 = arith.cmpi ne, %parallel_loop3A_122, %parallel_loop3A_123 : i32
      %parallel_loop3A_125 = arith.andi %parallel_loop3A_121, %parallel_loop3A_124 : i1
      %parallel_loop3A_126 = arith.constant 1 : i32
      %parallel_loop3A_127 = arith.subi %parallel_loop3A_106, %parallel_loop3A_126 : i32
      %parallel_loop3A_128 = arith.select %parallel_loop3A_125, %parallel_loop3A_127, %parallel_loop3A_106 : i32
      %parallel_loop3A_129 = arith.constant 48 : i32
      %parallel_loop3A_130 = arith.muli %parallel_loop3A_128, %parallel_loop3A_129 : i32
      %parallel_loop3A_131 = arith.subi %parallel_loop3A_104, %parallel_loop3A_130 : i32
      %parallel_loop3A_132 = arith.constant 16 : i32
      %parallel_loop3A_133 = arith.muli %parallel_loop3A_131, %parallel_loop3A_132 : i32
      %parallel_loop3A_134 = tpu.assume_multiple %parallel_loop3A_133, 16 : i32
      %parallel_loop3A_135 = arith.index_cast %parallel_loop3A_128 : i32 to index
      %parallel_loop3A_136 = arith.index_cast %parallel_loop3A_134 : i32 to index
      %parallel_loop3A_137 = tpu.vector_load %arg8[%parallel_loop3A_135, %parallel_loop3A_136] {strides = array<i32>} : memref<128x768xf32, #tpu.memory_space<vmem>>, vector<16xf32>,
      %parallel_loop3A_138 = arith.constant 0 : i32
      %parallel_loop3A_139 = arith.index_cast %parallel_loop3A_138 : i32 to index
      %parallel_loop3A_140 = arith.index_cast %parallel_loop3A_134 : i32 to index
      %parallel_loop3A_141 = tpu.vector_load %arg14[%parallel_loop3A_139, %parallel_loop3A_140] {strides = array<i32>} : memref<1x768xf32, #tpu.memory_space<vmem>>, vector<16xf32>,
      %parallel_loop3A_142 = arith.addf %parallel_loop3A_137, %parallel_loop3A_141 : vector<16xf32>
      %parallel_loop3A_143 = arith.index_cast %parallel_loop3A_128 : i32 to index
      %parallel_loop3A_144 = arith.index_cast %parallel_loop3A_134 : i32 to index
      %parallel_loop3A_145 = tpu.vector_load %arg8[%parallel_loop3A_143, %parallel_loop3A_144] {strides = array<i32>} : memref<128x768xf32, #tpu.memory_space<vmem>>, vector<16xf32>,
      tpu.vector_store %arg8[%parallel_loop3A_143, %parallel_loop3A_144], %parallel_loop3A_142 {strides = array<i32>} : memref<128x768xf32, #tpu.memory_space<vmem>>, vector<16xf32>,
    } {sc.loop_unroll_factor = 4 : i64, sc.parallel_access}
    %mul3A_53 = arith.constant 128 : i32
    %mul3A_54 = arith.muli %sub3A_17, %mul3A_53 : i32
    %add3A_55 = arith.constant 1025 : i32
    %add3A_56 = arith.addi %add3A_55, %mul3A_54 : i32
    %dma_start3A_57 = arith.constant 0 : i32
    %dma_start3A_58 = tpu.memref_slice %arg7[%add3A, %add3A_56, %dma_start3A_57] : memref<4x2049x768xf32, #tpu.memory_space<hbm>> -> memref<1x128x768xf32, #tpu.memory_space<hbm>>
    %dma_start3A_59 = tpu.memref_squeeze %dma_start3A_58 : memref<1x128x768xf32, #tpu.memory_space<hbm>> -> memref<128x768xf32, #tpu.memory_space<hbm>>
    %dma_start3A_60 = arith.constant 0 : i32
    %dma_start3A_61 = tpu.memref_slice %arg7[%add3A, %add3A_56, %dma_start3A_60] : memref<4x2049x768xf32, #tpu.memory_space<hbm>> -> memref<1x128x768xf32, #tpu.memory_space<hbm>>
    %dma_start3A_62 = tpu.memref_squeeze %dma_start3A_61 : memref<1x128x768xf32, #tpu.memory_space<hbm>> -> memref<128x768xf32, #tpu.memory_space<hbm>>
    tpu.enqueue_dma source(%arg8 : memref<128x768xf32, #tpu.memory_space<vmem>>) target(%dma_start3A_62 : memref<128x768xf32, #tpu.memory_space<hbm>>) target_semaphore(%arg18 : memref<!tpu.dma_semaphore, #tpu.memory_space<semaphore_mem>>)
    %dma_wait3A_63 = arith.constant 0 : i32
    %dma_wait3A_64 = tpu.memref_slice %arg7[%add3A, %add3A_56, %dma_wait3A_63] : memref<4x2049x768xf32, #tpu.memory_space<hbm>> -> memref<1x128x768xf32, #tpu.memory_space<hbm>>
    %dma_wait3A_65 = tpu.memref_squeeze %dma_wait3A_64 : memref<1x128x768xf32, #tpu.memory_space<hbm>> -> memref<128x768xf32, #tpu.memory_space<hbm>>
    %dma_wait3A_66 = arith.constant 0 : i32
    %dma_wait3A_67 = tpu.memref_slice %arg7[%add3A, %add3A_56, %dma_wait3A_66] : memref<4x2049x768xf32, #tpu.memory_space<hbm>> -> memref<1x128x768xf32, #tpu.memory_space<hbm>>
    %dma_wait3A_68 = tpu.memref_squeeze %dma_wait3A_67 : memref<1x128x768xf32, #tpu.memory_space<hbm>> -> memref<128x768xf32, #tpu.memory_space<hbm>>
    tpu.wait_dma2 semaphore(%arg18 : memref<!tpu.dma_semaphore, #tpu.memory_space<semaphore_mem>>) src(%arg8 : memref<128x768xf32, #tpu.memory_space<vmem>>) dst(%dma_wait3A_68 : memref<128x768xf32, #tpu.memory_space<hbm>>)
    "tpu.region"() ({
      %run_scoped3A = tpu.sem_alloc : memref<!tpu.dma_semaphore, #tpu.memory_space<semaphore_mem>>
      %dma_start3A_104 = tpu.memref_slice %arg4[%add3A_24] : memref<4096xi32, #tpu.memory_space<hbm>> -> memref<128xi32, #tpu.memory_space<hbm>>
      %dma_start3A_105 = tpu.memref_slice %arg4[%add3A_24] : memref<4096xi32, #tpu.memory_space<hbm>> -> memref<128xi32, #tpu.memory_space<hbm>>
      tpu.enqueue_dma source(%dma_start3A_105 : memref<128xi32, #tpu.memory_space<hbm>>) target(%arg9 : memref<128xi32, #tpu.memory_space<vmem>>) target_semaphore(%run_scoped3A : memref<!tpu.dma_semaphore, #tpu.memory_space<semaphore_mem>>)
      %dma_wait3A_106 = tpu.memref_slice %arg4[%add3A_24] : memref<4096xi32, #tpu.memory_space<hbm>> -> memref<128xi32, #tpu.memory_space<hbm>>
      %dma_wait3A_107 = tpu.memref_slice %arg4[%add3A_24] : memref<4096xi32, #tpu.memory_space<hbm>> -> memref<128xi32, #tpu.memory_space<hbm>>
      tpu.wait_dma2 semaphore(%run_scoped3A : memref<!tpu.dma_semaphore, #tpu.memory_space<semaphore_mem>>) src(%dma_wait3A_107 : memref<128xi32, #tpu.memory_space<hbm>>) dst(%arg9 : memref<128xi32, #tpu.memory_space<vmem>>)
      tpu.yield
    }) : () -> ()
    %dma_start3A_69 = arith.constant 0 : i32
    %dma_start3A_70 = arith.constant 0 : i32
    %dma_start3A_71 = tpu.memref_slice %arg2[%add3A, %dma_start3A_69, %dma_start3A_70] : memref<4x2049x768xf32, #tpu.memory_space<hbm>> -> memref<1x2049x768xf32, #tpu.memory_space<hbm>>
    %dma_start3A_72 = tpu.memref_squeeze %dma_start3A_71 : memref<1x2049x768xf32, #tpu.memory_space<hbm>> -> memref<2049x768xf32, #tpu.memory_space<hbm>>
    %dma_start3A_73 = arith.constant 0 : i32
    %dma_start3A_74 = arith.constant 0 : i32
    %dma_start3A_75 = tpu.memref_slice %dma_start3A_72[%dma_start3A_73, %dma_start3A_74] : memref<2049x768xf32, #tpu.memory_space<hbm>> -> memref<2049x768xf32, #tpu.memory_space<hbm>>
    tpu.enqueue_indirect_dma source(%dma_start3A_75 : memref<2049x768xf32, #tpu.memory_space<hbm>>) target(%arg8 : memref<128x768xf32, #tpu.memory_space<vmem>>) offsets(%arg9 : memref<128xi32, #tpu.memory_space<vmem>>) semaphore(%arg18 : memref<!tpu.dma_semaphore, #tpu.memory_space<semaphore_mem>>)
    %dma_wait3A_76 = arith.constant 0 : i32
    %dma_wait3A_77 = arith.constant 0 : i32
    %dma_wait3A_78 = tpu.memref_slice %arg2[%add3A, %dma_wait3A_76, %dma_wait3A_77] : memref<4x2049x768xf32, #tpu.memory_space<hbm>> -> memref<1x2049x768xf32, #tpu.memory_space<hbm>>
    %dma_wait3A_79 = tpu.memref_squeeze %dma_wait3A_78 : memref<1x2049x768xf32, #tpu.memory_space<hbm>> -> memref<2049x768xf32, #tpu.memory_space<hbm>>
    %dma_wait3A_80 = arith.constant 0 : i32
    %dma_wait3A_81 = arith.constant 0 : i32
    %dma_wait3A_82 = tpu.memref_slice %dma_wait3A_79[%dma_wait3A_80, %dma_wait3A_81] : memref<2049x768xf32, #tpu.memory_space<hbm>> -> memref<2049x768xf32, #tpu.memory_space<hbm>>
    tpu.wait_indirect_dma semaphore(%arg18 : memref<!tpu.dma_semaphore, #tpu.memory_space<semaphore_mem>>) src(%dma_wait3A_82 : memref<2049x768xf32, #tpu.memory_space<hbm>>) dst(%arg8 : memref<128x768xf32, #tpu.memory_space<vmem>>)
    %parallel_loop3A_83 = arith.constant 0 : i32
    %parallel_loop3A_84 = arith.constant 6144 : i32
    %parallel_loop3A_85 = arith.constant 1 : i32
    scf.for %parallel_loop3A_104 = %parallel_loop3A_83 to %parallel_loop3A_84 step %parallel_loop3A_85  : i32 {
      %parallel_loop3A_105 = arith.constant 48 : i32
      %parallel_loop3A_106 = arith.divsi %parallel_loop3A_104, %parallel_loop3A_105 : i32
      %parallel_loop3A_107 = arith.constant 0 : i32
      %parallel_loop3A_108 = arith.cmpi sgt, %parallel_loop3A_104, %parallel_loop3A_107 : i32
      %parallel_loop3A_109 = arith.extui %parallel_loop3A_108 : i1 to i32
      %parallel_loop3A_110 = arith.constant 0 : i32
      %parallel_loop3A_111 = arith.cmpi slt, %parallel_loop3A_104, %parallel_loop3A_110 : i32
      %parallel_loop3A_112 = arith.extui %parallel_loop3A_111 : i1 to i32
      %parallel_loop3A_113 = arith.subi %parallel_loop3A_109, %parallel_loop3A_112 : i32
      %parallel_loop3A_114 = arith.constant 0 : i32
      %parallel_loop3A_115 = arith.cmpi sgt, %parallel_loop3A_105, %parallel_loop3A_114 : i32
      %parallel_loop3A_116 = arith.extui %parallel_loop3A_115 : i1 to i32
      %parallel_loop3A_117 = arith.constant 0 : i32
      %parallel_loop3A_118 = arith.cmpi slt, %parallel_loop3A_105, %parallel_loop3A_117 : i32
      %parallel_loop3A_119 = arith.extui %parallel_loop3A_118 : i1 to i32
      %parallel_loop3A_120 = arith.subi %parallel_loop3A_116, %parallel_loop3A_119 : i32
      %parallel_loop3A_121 = arith.cmpi ne, %parallel_loop3A_113, %parallel_loop3A_120 : i32
      %parallel_loop3A_122 = arith.remsi %parallel_loop3A_104, %parallel_loop3A_105 : i32
      %parallel_loop3A_123 = arith.constant 0 : i32
      %parallel_loop3A_124 = arith.cmpi ne, %parallel_loop3A_122, %parallel_loop3A_123 : i32
      %parallel_loop3A_125 = arith.andi %parallel_loop3A_121, %parallel_loop3A_124 : i1
      %parallel_loop3A_126 = arith.constant 1 : i32
      %parallel_loop3A_127 = arith.subi %parallel_loop3A_106, %parallel_loop3A_126 : i32
      %parallel_loop3A_128 = arith.select %parallel_loop3A_125, %parallel_loop3A_127, %parallel_loop3A_106 : i32
      %parallel_loop3A_129 = arith.constant 48 : i32
      %parallel_loop3A_130 = arith.muli %parallel_loop3A_128, %parallel_loop3A_129 : i32
      %parallel_loop3A_131 = arith.subi %parallel_loop3A_104, %parallel_loop3A_130 : i32
      %parallel_loop3A_132 = arith.constant 16 : i32
      %parallel_loop3A_133 = arith.muli %parallel_loop3A_131, %parallel_loop3A_132 : i32
      %parallel_loop3A_134 = tpu.assume_multiple %parallel_loop3A_133, 16 : i32
      %parallel_loop3A_135 = arith.index_cast %parallel_loop3A_128 : i32 to index
      %parallel_loop3A_136 = arith.index_cast %parallel_loop3A_134 : i32 to index
      %parallel_loop3A_137 = tpu.vector_load %arg8[%parallel_loop3A_135, %parallel_loop3A_136] {strides = array<i32>} : memref<128x768xf32, #tpu.memory_space<vmem>>, vector<16xf32>,
      %parallel_loop3A_138 = arith.constant 0 : i32
      %parallel_loop3A_139 = arith.index_cast %parallel_loop3A_138 : i32 to index
      %parallel_loop3A_140 = arith.index_cast %parallel_loop3A_134 : i32 to index
      %parallel_loop3A_141 = tpu.vector_load %arg15[%parallel_loop3A_139, %parallel_loop3A_140] {strides = array<i32>} : memref<2x768xf32, #tpu.memory_space<vmem>>, vector<16xf32>,
      %parallel_loop3A_142 = arith.mulf %parallel_loop3A_137, %parallel_loop3A_141 : vector<16xf32>
      %parallel_loop3A_143 = arith.constant -2.000000e+00 : f32
      %parallel_loop3A_144 = vector.broadcast %parallel_loop3A_143 : f32 to vector<16xf32>
      %parallel_loop3A_145 = arith.maximumf %parallel_loop3A_142, %parallel_loop3A_144 : vector<16xf32>
      %parallel_loop3A_146 = arith.constant 2.000000e+00 : f32
      %parallel_loop3A_147 = vector.broadcast %parallel_loop3A_146 : f32 to vector<16xf32>
      %parallel_loop3A_148 = arith.minimumf %parallel_loop3A_145, %parallel_loop3A_147 : vector<16xf32>
      %parallel_loop3A_149 = arith.mulf %parallel_loop3A_148, %parallel_loop3A_148 : vector<16xf32>
      %parallel_loop3A_150 = arith.constant 1.859810e-03 : f32
      %parallel_loop3A_151 = vector.broadcast %parallel_loop3A_150 : f32 to vector<16xf32>
      %parallel_loop3A_152 = arith.mulf %parallel_loop3A_151, %parallel_loop3A_149 : vector<16xf32>
      %parallel_loop3A_153 = arith.constant -0.0214048494 : f32
      %parallel_loop3A_154 = vector.broadcast %parallel_loop3A_153 : f32 to vector<16xf32>
      %parallel_loop3A_155 = arith.addf %parallel_loop3A_152, %parallel_loop3A_154 : vector<16xf32>
      %parallel_loop3A_156 = arith.mulf %parallel_loop3A_155, %parallel_loop3A_149 : vector<16xf32>
      %parallel_loop3A_157 = arith.constant 0.10470055 : f32
      %parallel_loop3A_158 = vector.broadcast %parallel_loop3A_157 : f32 to vector<16xf32>
      %parallel_loop3A_159 = arith.addf %parallel_loop3A_156, %parallel_loop3A_158 : vector<16xf32>
      %parallel_loop3A_160 = arith.mulf %parallel_loop3A_159, %parallel_loop3A_149 : vector<16xf32>
      %parallel_loop3A_161 = arith.constant -0.324308455 : f32
      %parallel_loop3A_162 = vector.broadcast %parallel_loop3A_161 : f32 to vector<16xf32>
      %parallel_loop3A_163 = arith.addf %parallel_loop3A_160, %parallel_loop3A_162 : vector<16xf32>
      %parallel_loop3A_164 = arith.mulf %parallel_loop3A_163, %parallel_loop3A_149 : vector<16xf32>
      %parallel_loop3A_165 = arith.constant 1.000000e+00 : f32
      %parallel_loop3A_166 = vector.broadcast %parallel_loop3A_165 : f32 to vector<16xf32>
      %parallel_loop3A_167 = arith.addf %parallel_loop3A_164, %parallel_loop3A_166 : vector<16xf32>
      %parallel_loop3A_168 = arith.mulf %parallel_loop3A_148, %parallel_loop3A_167 : vector<16xf32>
      %parallel_loop3A_169 = arith.addf %parallel_loop3A_137, %parallel_loop3A_168 : vector<16xf32>
      %parallel_loop3A_170 = arith.constant 1 : i32
      %parallel_loop3A_171 = arith.index_cast %parallel_loop3A_170 : i32 to index
      %parallel_loop3A_172 = arith.index_cast %parallel_loop3A_134 : i32 to index
      %parallel_loop3A_173 = tpu.vector_load %arg15[%parallel_loop3A_171, %parallel_loop3A_172] {strides = array<i32>} : memref<2x768xf32, #tpu.memory_space<vmem>>, vector<16xf32>,
      %parallel_loop3A_174 = arith.mulf %parallel_loop3A_169, %parallel_loop3A_173 : vector<16xf32>
      %parallel_loop3A_175 = arith.constant -2.000000e+00 : f32
      %parallel_loop3A_176 = vector.broadcast %parallel_loop3A_175 : f32 to vector<16xf32>
      %parallel_loop3A_177 = arith.maximumf %parallel_loop3A_174, %parallel_loop3A_176 : vector<16xf32>
      %parallel_loop3A_178 = arith.constant 2.000000e+00 : f32
      %parallel_loop3A_179 = vector.broadcast %parallel_loop3A_178 : f32 to vector<16xf32>
      %parallel_loop3A_180 = arith.minimumf %parallel_loop3A_177, %parallel_loop3A_179 : vector<16xf32>
      %parallel_loop3A_181 = arith.mulf %parallel_loop3A_180, %parallel_loop3A_180 : vector<16xf32>
      %parallel_loop3A_182 = arith.constant 1.859810e-03 : f32
      %parallel_loop3A_183 = vector.broadcast %parallel_loop3A_182 : f32 to vector<16xf32>
      %parallel_loop3A_184 = arith.mulf %parallel_loop3A_183, %parallel_loop3A_181 : vector<16xf32>
      %parallel_loop3A_185 = arith.constant -0.0214048494 : f32
      %parallel_loop3A_186 = vector.broadcast %parallel_loop3A_185 : f32 to vector<16xf32>
      %parallel_loop3A_187 = arith.addf %parallel_loop3A_184, %parallel_loop3A_186 : vector<16xf32>
      %parallel_loop3A_188 = arith.mulf %parallel_loop3A_187, %parallel_loop3A_181 : vector<16xf32>
      %parallel_loop3A_189 = arith.constant 0.10470055 : f32
      %parallel_loop3A_190 = vector.broadcast %parallel_loop3A_189 : f32 to vector<16xf32>
      %parallel_loop3A_191 = arith.addf %parallel_loop3A_188, %parallel_loop3A_190 : vector<16xf32>
      %parallel_loop3A_192 = arith.mulf %parallel_loop3A_191, %parallel_loop3A_181 : vector<16xf32>
      %parallel_loop3A_193 = arith.constant -0.324308455 : f32
      %parallel_loop3A_194 = vector.broadcast %parallel_loop3A_193 : f32 to vector<16xf32>
      %parallel_loop3A_195 = arith.addf %parallel_loop3A_192, %parallel_loop3A_194 : vector<16xf32>
      %parallel_loop3A_196 = arith.mulf %parallel_loop3A_195, %parallel_loop3A_181 : vector<16xf32>
      %parallel_loop3A_197 = arith.constant 1.000000e+00 : f32
      %parallel_loop3A_198 = vector.broadcast %parallel_loop3A_197 : f32 to vector<16xf32>
      %parallel_loop3A_199 = arith.addf %parallel_loop3A_196, %parallel_loop3A_198 : vector<16xf32>
      %parallel_loop3A_200 = arith.mulf %parallel_loop3A_180, %parallel_loop3A_199 : vector<16xf32>
      %parallel_loop3A_201 = arith.addf %parallel_loop3A_169, %parallel_loop3A_200 : vector<16xf32>
      %parallel_loop3A_202 = arith.index_cast %parallel_loop3A_128 : i32 to index
      %parallel_loop3A_203 = arith.index_cast %parallel_loop3A_134 : i32 to index
      %parallel_loop3A_204 = tpu.vector_load %arg8[%parallel_loop3A_202, %parallel_loop3A_203] {strides = array<i32>} : memref<128x768xf32, #tpu.memory_space<vmem>>, vector<16xf32>,
      tpu.vector_store %arg8[%parallel_loop3A_202, %parallel_loop3A_203], %parallel_loop3A_201 {strides = array<i32>} : memref<128x768xf32, #tpu.memory_space<vmem>>, vector<16xf32>,
    } {sc.loop_unroll_factor = 4 : i64, sc.parallel_access}
    %mul3A_86 = arith.constant 128 : i32
    %mul3A_87 = arith.muli %sub3A_17, %mul3A_86 : i32
    %add3A_88 = arith.constant 1 : i32
    %add3A_89 = arith.addi %add3A_88, %mul3A_87 : i32
    %dma_start3A_90 = arith.constant 0 : i32
    %dma_start3A_91 = tpu.memref_slice %arg7[%add3A, %add3A_89, %dma_start3A_90] : memref<4x2049x768xf32, #tpu.memory_space<hbm>> -> memref<1x128x768xf32, #tpu.memory_space<hbm>>
    %dma_start3A_92 = tpu.memref_squeeze %dma_start3A_91 : memref<1x128x768xf32, #tpu.memory_space<hbm>> -> memref<128x768xf32, #tpu.memory_space<hbm>>
    %dma_start3A_93 = arith.constant 0 : i32
    %dma_start3A_94 = tpu.memref_slice %arg7[%add3A, %add3A_89, %dma_start3A_93] : memref<4x2049x768xf32, #tpu.memory_space<hbm>> -> memref<1x128x768xf32, #tpu.memory_space<hbm>>
    %dma_start3A_95 = tpu.memref_squeeze %dma_start3A_94 : memref<1x128x768xf32, #tpu.memory_space<hbm>> -> memref<128x768xf32, #tpu.memory_space<hbm>>
    tpu.enqueue_dma source(%arg8 : memref<128x768xf32, #tpu.memory_space<vmem>>) target(%dma_start3A_95 : memref<128x768xf32, #tpu.memory_space<hbm>>) target_semaphore(%arg18 : memref<!tpu.dma_semaphore, #tpu.memory_space<semaphore_mem>>)
    %dma_wait3A_96 = arith.constant 0 : i32
    %dma_wait3A_97 = tpu.memref_slice %arg7[%add3A, %add3A_89, %dma_wait3A_96] : memref<4x2049x768xf32, #tpu.memory_space<hbm>> -> memref<1x128x768xf32, #tpu.memory_space<hbm>>
    %dma_wait3A_98 = tpu.memref_squeeze %dma_wait3A_97 : memref<1x128x768xf32, #tpu.memory_space<hbm>> -> memref<128x768xf32, #tpu.memory_space<hbm>>
    %dma_wait3A_99 = arith.constant 0 : i32
    %dma_wait3A_100 = tpu.memref_slice %arg7[%add3A, %add3A_89, %dma_wait3A_99] : memref<4x2049x768xf32, #tpu.memory_space<hbm>> -> memref<1x128x768xf32, #tpu.memory_space<hbm>>
    %dma_wait3A_101 = tpu.memref_squeeze %dma_wait3A_100 : memref<1x128x768xf32, #tpu.memory_space<hbm>> -> memref<128x768xf32, #tpu.memory_space<hbm>>
    tpu.wait_dma2 semaphore(%arg18 : memref<!tpu.dma_semaphore, #tpu.memory_space<semaphore_mem>>) src(%arg8 : memref<128x768xf32, #tpu.memory_space<vmem>>) dst(%dma_wait3A_101 : memref<128x768xf32, #tpu.memory_space<hbm>>)
    %eq3A = arith.constant 0 : i32
    %eq3A_102 = arith.cmpi eq, %sub3A_17, %eq3A : i32
    %convert_element_type3A = arith.extui %eq3A_102 : i1 to i32
    %cond3A = arith.constant 0 : i32
    %cond3A_103 = arith.cmpi ne, %convert_element_type3A, %cond3A : i32
    scf.if %cond3A_103 {
      "tpu.region"() ({
        %run_scoped3A = tpu.sem_alloc : memref<!tpu.dma_semaphore, #tpu.memory_space<semaphore_mem>>
        %dma_start3A_110 = arith.constant 0 : i32
        %dma_start3A_111 = arith.constant 0 : i32
        %dma_start3A_112 = tpu.memref_slice %arg2[%add3A, %dma_start3A_110, %dma_start3A_111] : memref<4x2049x768xf32, #tpu.memory_space<hbm>> -> memref<1x1x768xf32, #tpu.memory_space<hbm>>
        %dma_start3A_113 = tpu.memref_squeeze %dma_start3A_112 : memref<1x1x768xf32, #tpu.memory_space<hbm>> -> memref<1x768xf32, #tpu.memory_space<hbm>>
        %dma_start3A_114 = arith.constant 0 : i32
        %dma_start3A_115 = arith.constant 0 : i32
        %dma_start3A_116 = tpu.memref_slice %arg2[%add3A, %dma_start3A_114, %dma_start3A_115] : memref<4x2049x768xf32, #tpu.memory_space<hbm>> -> memref<1x1x768xf32, #tpu.memory_space<hbm>>
        %dma_start3A_117 = tpu.memref_squeeze %dma_start3A_116 : memref<1x1x768xf32, #tpu.memory_space<hbm>> -> memref<1x768xf32, #tpu.memory_space<hbm>>
        tpu.enqueue_dma source(%dma_start3A_117 : memref<1x768xf32, #tpu.memory_space<hbm>>) target(%arg16 : memref<1x768xf32, #tpu.memory_space<vmem>>) target_semaphore(%run_scoped3A : memref<!tpu.dma_semaphore, #tpu.memory_space<semaphore_mem>>)
        %dma_wait3A_118 = arith.constant 0 : i32
        %dma_wait3A_119 = arith.constant 0 : i32
        %dma_wait3A_120 = tpu.memref_slice %arg2[%add3A, %dma_wait3A_118, %dma_wait3A_119] : memref<4x2049x768xf32, #tpu.memory_space<hbm>> -> memref<1x1x768xf32, #tpu.memory_space<hbm>>
        %dma_wait3A_121 = tpu.memref_squeeze %dma_wait3A_120 : memref<1x1x768xf32, #tpu.memory_space<hbm>> -> memref<1x768xf32, #tpu.memory_space<hbm>>
        %dma_wait3A_122 = arith.constant 0 : i32
        %dma_wait3A_123 = arith.constant 0 : i32
        %dma_wait3A_124 = tpu.memref_slice %arg2[%add3A, %dma_wait3A_122, %dma_wait3A_123] : memref<4x2049x768xf32, #tpu.memory_space<hbm>> -> memref<1x1x768xf32, #tpu.memory_space<hbm>>
        %dma_wait3A_125 = tpu.memref_squeeze %dma_wait3A_124 : memref<1x1x768xf32, #tpu.memory_space<hbm>> -> memref<1x768xf32, #tpu.memory_space<hbm>>
        tpu.wait_dma2 semaphore(%run_scoped3A : memref<!tpu.dma_semaphore, #tpu.memory_space<semaphore_mem>>) src(%dma_wait3A_125 : memref<1x768xf32, #tpu.memory_space<hbm>>) dst(%arg16 : memref<1x768xf32, #tpu.memory_space<vmem>>)
        tpu.yield
      }) : () -> ()
      %scan3A = arith.constant 0 : i32
      %scan3A_104 = arith.constant 0 : i32
      %scan3A_105 = arith.constant 48 : i32
      %scan3A_106 = arith.addi %scan3A_104, %scan3A_105 : i32
      %scan3A_107 = arith.constant 1 : i32
      %scan3A_108 = scf.for %scan3A_110 = %scan3A_104 to %scan3A_106 step %scan3A_107 iter_args(%scan3A_111 = %scan3A) -> (i32)  : i32 {
        %mul3A_112 = arith.constant 16 : i32
        %mul3A_113 = arith.muli %scan3A_110, %mul3A_112 : i32
        %multiple_of3A = tpu.assume_multiple %mul3A_113, 16 : i32
        %get3A = arith.constant 0 : i32
        %get3A_114 = arith.index_cast %get3A : i32 to index
        %get3A_115 = arith.index_cast %multiple_of3A : i32 to index
        %get3A_116 = tpu.vector_load %arg16[%get3A_114, %get3A_115] {strides = array<i32>} : memref<1x768xf32, #tpu.memory_space<vmem>>, vector<16xf32>,
        %get3A_117 = arith.constant 0 : i32
        %get3A_118 = arith.index_cast %get3A_117 : i32 to index
        %get3A_119 = arith.index_cast %multiple_of3A : i32 to index
        %get3A_120 = tpu.vector_load %arg15[%get3A_118, %get3A_119] {strides = array<i32>} : memref<2x768xf32, #tpu.memory_space<vmem>>, vector<16xf32>,
        %mul3A_121 = arith.mulf %get3A_116, %get3A_120 : vector<16xf32>
        %max3A = arith.constant -2.000000e+00 : f32
        %max3A_122 = vector.broadcast %max3A : f32 to vector<16xf32>
        %max3A_123 = arith.maximumf %mul3A_121, %max3A_122 : vector<16xf32>
        %min3A = arith.constant 2.000000e+00 : f32
        %min3A_124 = vector.broadcast %min3A : f32 to vector<16xf32>
        %min3A_125 = arith.minimumf %max3A_123, %min3A_124 : vector<16xf32>
        %mul3A_126 = arith.mulf %min3A_125, %min3A_125 : vector<16xf32>
        %mul3A_127 = arith.constant 1.859810e-03 : f32
        %mul3A_128 = vector.broadcast %mul3A_127 : f32 to vector<16xf32>
        %mul3A_129 = arith.mulf %mul3A_128, %mul3A_126 : vector<16xf32>
        %add3A_130 = arith.constant -0.0214048494 : f32
        %add3A_131 = vector.broadcast %add3A_130 : f32 to vector<16xf32>
        %add3A_132 = arith.addf %mul3A_129, %add3A_131 : vector<16xf32>
        %mul3A_133 = arith.mulf %add3A_132, %mul3A_126 : vector<16xf32>
        %add3A_134 = arith.constant 0.10470055 : f32
        %add3A_135 = vector.broadcast %add3A_134 : f32 to vector<16xf32>
        %add3A_136 = arith.addf %mul3A_133, %add3A_135 : vector<16xf32>
        %mul3A_137 = arith.mulf %add3A_136, %mul3A_126 : vector<16xf32>
        %add3A_138 = arith.constant -0.324308455 : f32
        %add3A_139 = vector.broadcast %add3A_138 : f32 to vector<16xf32>
        %add3A_140 = arith.addf %mul3A_137, %add3A_139 : vector<16xf32>
        %mul3A_141 = arith.mulf %add3A_140, %mul3A_126 : vector<16xf32>
        %add3A_142 = arith.constant 1.000000e+00 : f32
        %add3A_143 = vector.broadcast %add3A_142 : f32 to vector<16xf32>
        %add3A_144 = arith.addf %mul3A_141, %add3A_143 : vector<16xf32>
        %mul3A_145 = arith.mulf %min3A_125, %add3A_144 : vector<16xf32>
        %add3A_146 = arith.addf %get3A_116, %mul3A_145 : vector<16xf32>
        %get3A_147 = arith.constant 1 : i32
        %get3A_148 = arith.index_cast %get3A_147 : i32 to index
        %get3A_149 = arith.index_cast %multiple_of3A : i32 to index
        %get3A_150 = tpu.vector_load %arg15[%get3A_148, %get3A_149] {strides = array<i32>} : memref<2x768xf32, #tpu.memory_space<vmem>>, vector<16xf32>,
        %mul3A_151 = arith.mulf %add3A_146, %get3A_150 : vector<16xf32>
        %max3A_152 = arith.constant -2.000000e+00 : f32
        %max3A_153 = vector.broadcast %max3A_152 : f32 to vector<16xf32>
        %max3A_154 = arith.maximumf %mul3A_151, %max3A_153 : vector<16xf32>
        %min3A_155 = arith.constant 2.000000e+00 : f32
        %min3A_156 = vector.broadcast %min3A_155 : f32 to vector<16xf32>
        %min3A_157 = arith.minimumf %max3A_154, %min3A_156 : vector<16xf32>
        %mul3A_158 = arith.mulf %min3A_157, %min3A_157 : vector<16xf32>
        %mul3A_159 = arith.constant 1.859810e-03 : f32
        %mul3A_160 = vector.broadcast %mul3A_159 : f32 to vector<16xf32>
        %mul3A_161 = arith.mulf %mul3A_160, %mul3A_158 : vector<16xf32>
        %add3A_162 = arith.constant -0.0214048494 : f32
        %add3A_163 = vector.broadcast %add3A_162 : f32 to vector<16xf32>
        %add3A_164 = arith.addf %mul3A_161, %add3A_163 : vector<16xf32>
        %mul3A_165 = arith.mulf %add3A_164, %mul3A_158 : vector<16xf32>
        %add3A_166 = arith.constant 0.10470055 : f32
        %add3A_167 = vector.broadcast %add3A_166 : f32 to vector<16xf32>
        %add3A_168 = arith.addf %mul3A_165, %add3A_167 : vector<16xf32>
        %mul3A_169 = arith.mulf %add3A_168, %mul3A_158 : vector<16xf32>
        %add3A_170 = arith.constant -0.324308455 : f32
        %add3A_171 = vector.broadcast %add3A_170 : f32 to vector<16xf32>
        %add3A_172 = arith.addf %mul3A_169, %add3A_171 : vector<16xf32>
        %mul3A_173 = arith.mulf %add3A_172, %mul3A_158 : vector<16xf32>
        %add3A_174 = arith.constant 1.000000e+00 : f32
        %add3A_175 = vector.broadcast %add3A_174 : f32 to vector<16xf32>
        %add3A_176 = arith.addf %mul3A_173, %add3A_175 : vector<16xf32>
        %mul3A_177 = arith.mulf %min3A_157, %add3A_176 : vector<16xf32>
        %add3A_178 = arith.addf %add3A_146, %mul3A_177 : vector<16xf32>
        %swap3A = arith.constant 0 : i32
        %swap3A_179 = arith.index_cast %swap3A : i32 to index
        %swap3A_180 = arith.index_cast %multiple_of3A : i32 to index
        %swap3A_181 = tpu.vector_load %arg16[%swap3A_179, %swap3A_180] {strides = array<i32>} : memref<1x768xf32, #tpu.memory_space<vmem>>, vector<16xf32>,
        tpu.vector_store %arg16[%swap3A_179, %swap3A_180], %add3A_178 {strides = array<i32>} : memref<1x768xf32, #tpu.memory_space<vmem>>, vector<16xf32>,
        %scan3A_182 = arith.constant 0 : i32
        scf.yield %scan3A_182 : i32
      }
      %scan3A_109 = arith.constant 48 : i32
      "tpu.region"() ({
        %run_scoped3A = tpu.sem_alloc : memref<!tpu.dma_semaphore, #tpu.memory_space<semaphore_mem>>
        %dma_start3A_110 = arith.constant 0 : i32
        %dma_start3A_111 = arith.constant 0 : i32
        %dma_start3A_112 = tpu.memref_slice %arg7[%add3A, %dma_start3A_110, %dma_start3A_111] : memref<4x2049x768xf32, #tpu.memory_space<hbm>> -> memref<1x1x768xf32, #tpu.memory_space<hbm>>
        %dma_start3A_113 = tpu.memref_squeeze %dma_start3A_112 : memref<1x1x768xf32, #tpu.memory_space<hbm>> -> memref<1x768xf32, #tpu.memory_space<hbm>>
        %dma_start3A_114 = arith.constant 0 : i32
        %dma_start3A_115 = arith.constant 0 : i32
        %dma_start3A_116 = tpu.memref_slice %arg7[%add3A, %dma_start3A_114, %dma_start3A_115] : memref<4x2049x768xf32, #tpu.memory_space<hbm>> -> memref<1x1x768xf32, #tpu.memory_space<hbm>>
        %dma_start3A_117 = tpu.memref_squeeze %dma_start3A_116 : memref<1x1x768xf32, #tpu.memory_space<hbm>> -> memref<1x768xf32, #tpu.memory_space<hbm>>
        tpu.enqueue_dma source(%arg16 : memref<1x768xf32, #tpu.memory_space<vmem>>) target(%dma_start3A_117 : memref<1x768xf32, #tpu.memory_space<hbm>>) target_semaphore(%run_scoped3A : memref<!tpu.dma_semaphore, #tpu.memory_space<semaphore_mem>>)
        %dma_wait3A_118 = arith.constant 0 : i32
        %dma_wait3A_119 = arith.constant 0 : i32
        %dma_wait3A_120 = tpu.memref_slice %arg7[%add3A, %dma_wait3A_118, %dma_wait3A_119] : memref<4x2049x768xf32, #tpu.memory_space<hbm>> -> memref<1x1x768xf32, #tpu.memory_space<hbm>>
        %dma_wait3A_121 = tpu.memref_squeeze %dma_wait3A_120 : memref<1x1x768xf32, #tpu.memory_space<hbm>> -> memref<1x768xf32, #tpu.memory_space<hbm>>
        %dma_wait3A_122 = arith.constant 0 : i32
        %dma_wait3A_123 = arith.constant 0 : i32
        %dma_wait3A_124 = tpu.memref_slice %arg7[%add3A, %dma_wait3A_122, %dma_wait3A_123] : memref<4x2049x768xf32, #tpu.memory_space<hbm>> -> memref<1x1x768xf32, #tpu.memory_space<hbm>>
        %dma_wait3A_125 = tpu.memref_squeeze %dma_wait3A_124 : memref<1x1x768xf32, #tpu.memory_space<hbm>> -> memref<1x768xf32, #tpu.memory_space<hbm>>
        tpu.wait_dma2 semaphore(%run_scoped3A : memref<!tpu.dma_semaphore, #tpu.memory_space<semaphore_mem>>) src(%arg16 : memref<1x768xf32, #tpu.memory_space<vmem>>) dst(%dma_wait3A_125 : memref<1x768xf32, #tpu.memory_space<hbm>>)
        tpu.yield
      }) : () -> ()
    } else {
    }
    return
  }
}

module attributes {stable_mosaic.version = 14 : i64} {
  func.func @_prep_body(%arg0: i32, %arg1: memref<1x1x2048xf32, #tpu.memory_space<vmem>>, %arg2: memref<1x8x128xi32, #tpu.memory_space<vmem>>, %arg3: memref<1x8x128xi32, #tpu.memory_space<vmem>>, %arg4: memref<1x8x128xf32, #tpu.memory_space<vmem>>, %arg5: memref<1x2048xi32, #tpu.memory_space<vmem>>, %arg6: memref<1x2048xf32, #tpu.memory_space<vmem>>) attributes {dimension_semantics = [#tpu.dimension_semantics<arbitrary>], iteration_bounds = array<i64: 4>, scalar_prefetch = 0 : i64, scratch_operands = 2 : i64, tpu.core_type = #tpu.core_type<tc>, window_params = [{transform_indices = @transform_0, window_bounds = array<i64: 1, 1, 2048>}, {transform_indices = @transform_1, window_bounds = array<i64: 1, 8, 128>}, {transform_indices = @transform_2, window_bounds = array<i64: 1, 8, 128>}, {transform_indices = @transform_3, window_bounds = array<i64: 1, 8, 128>}]} {
    %get3A = arith.constant 0 : index
    %get3A_0 = arith.constant 0 : index
    %get3A_1 = arith.constant 0 : index
    %get3A_2 = vector.load %arg1[%get3A, %get3A_0, %get3A_1] : memref<1x1x2048xf32, #tpu.memory_space<vmem>>, vector<1x1x2048xf32>
    %get3A_3 = vector.shape_cast %get3A_2 : vector<1x1x2048xf32> to vector<2048xf32>
    %broadcast_in_dim3A = vector.shape_cast %get3A_3 : vector<2048xf32> to vector<1x2048xf32>
    %scan3A = arith.constant 0 : i32
    %scan3A_4 = arith.constant 16 : i32
    %scan3A_5 = arith.addi %scan3A, %scan3A_4 : i32
    %scan3A_6 = arith.constant 1 : i32
    scf.for %scan3A_57 = %scan3A to %scan3A_5 step %scan3A_6  : i32 {
      %mul3A = arith.constant 128 : i32
      %mul3A_58 = arith.muli %scan3A_57, %mul3A : i32
      %get3A_59 = arith.constant 0 : index
      %get3A_60 = arith.constant 0 : index
      %get3A_61 = arith.index_cast %mul3A_58 : i32 to index
      %get3A_62 = vector.load %arg1[%get3A_59, %get3A_60, %get3A_61] : memref<1x1x2048xf32, #tpu.memory_space<vmem>>, vector<1x1x128xf32>
      %get3A_63 = vector.shape_cast %get3A_62 : vector<1x1x128xf32> to vector<128xf32>
      %broadcast_in_dim3A_64 = vector.shape_cast %get3A_63 : vector<128xf32> to vector<128x1xf32>
      %iota3A_65 = tpu.iota {dimensions = array<i32: 1>} : vector<128x2048xi32>
      %mul3A_66 = arith.constant 128 : i32
      %mul3A_67 = arith.muli %scan3A_57, %mul3A_66 : i32
      %iota3A_68 = tpu.iota {dimensions = array<i32: 0>} : vector<128x2048xi32>
      %add3A_69 = vector.broadcast %mul3A_67 : i32 to vector<128x2048xi32>
      %add3A_70 = arith.addi %add3A_69, %iota3A_68 : vector<128x2048xi32>
      %gt3A = vector.broadcast %broadcast_in_dim3A : vector<1x2048xf32> to vector<128x2048xf32>
      %gt3A_71 = vector.broadcast %broadcast_in_dim3A_64 : vector<128x1xf32> to vector<128x2048xf32>
      %gt3A_72 = arith.cmpf ogt, %gt3A, %gt3A_71 : vector<128x2048xf32>
      %eq3A = vector.broadcast %broadcast_in_dim3A : vector<1x2048xf32> to vector<128x2048xf32>
      %eq3A_73 = vector.broadcast %broadcast_in_dim3A_64 : vector<128x1xf32> to vector<128x2048xf32>
      %eq3A_74 = arith.cmpf oeq, %eq3A, %eq3A_73 : vector<128x2048xf32>
      %lt3A = arith.cmpi slt, %iota3A_65, %add3A_70 : vector<128x2048xi32>
      %and3A = arith.andi %eq3A_74, %lt3A : vector<128x2048xi1>
      %or3A = arith.ori %gt3A_72, %and3A : vector<128x2048xi1>
      %convert_element_type3A = arith.extui %or3A : vector<128x2048xi1> to vector<128x2048xi32>
      %reduce_sum3A_75 = arith.constant dense<0> : vector<128xi32>
      %reduce_sum3A_76 = vector.multi_reduction <add>, %convert_element_type3A, %reduce_sum3A_75 [1] : vector<128x2048xi32> to vector<128xi32>
      %mul3A_77 = arith.constant 128 : i32
      %mul3A_78 = arith.muli %scan3A_57, %mul3A_77 : i32
      %swap3A_79 = arith.constant 0 : index
      %swap3A_80 = arith.index_cast %mul3A_78 : i32 to index
      %swap3A_81 = vector.load %arg5[%swap3A_79, %swap3A_80] : memref<1x2048xi32, #tpu.memory_space<vmem>>, vector<1x128xi32>
      %swap3A_82 = vector.shape_cast %swap3A_81 : vector<1x128xi32> to vector<128xi32>
      %swap3A_83 = vector.shape_cast %reduce_sum3A_76 : vector<128xi32> to vector<1x128xi32>
      tpu.vector_store %arg5[%swap3A_79, %swap3A_80], %swap3A_83 {strides = array<i32>} : memref<1x2048xi32, #tpu.memory_space<vmem>>, vector<1x128xi32>,
    }
    %scan3A_7 = arith.constant 16 : i32
    %get3A_8 = arith.constant 0 : index
    %get3A_9 = arith.constant 0 : index
    %get3A_10 = vector.load %arg5[%get3A_8, %get3A_9] : memref<1x2048xi32, #tpu.memory_space<vmem>>, vector<1x2048xi32>
    %get3A_11 = vector.shape_cast %get3A_10 : vector<1x2048xi32> to vector<2048xi32>
    %scan3A_12 = arith.constant 0 : i32
    %scan3A_13 = arith.constant 16 : i32
    %scan3A_14 = arith.addi %scan3A_12, %scan3A_13 : i32
    %scan3A_15 = arith.constant 1 : i32
    scf.for %scan3A_57 = %scan3A_12 to %scan3A_14 step %scan3A_15  : i32 {
      %mul3A = arith.constant 128 : i32
      %mul3A_58 = arith.muli %scan3A_57, %mul3A : i32
      %iota3A_59 = tpu.iota {dimensions = array<i32: 0>} : vector<128x2048xi32>
      %add3A_60 = vector.broadcast %mul3A_58 : i32 to vector<128x2048xi32>
      %add3A_61 = arith.addi %add3A_60, %iota3A_59 : vector<128x2048xi32>
      %iota3A_62 = tpu.iota {dimensions = array<i32: 1>} : vector<128x2048xi32>
      %broadcast_in_dim3A_63 = vector.shape_cast %get3A_11 : vector<2048xi32> to vector<1x2048xi32>
      %eq3A = vector.broadcast %broadcast_in_dim3A_63 : vector<1x2048xi32> to vector<128x2048xi32>
      %eq3A_64 = arith.cmpi eq, %eq3A, %add3A_61 : vector<128x2048xi32>
      %jit3A_65 = arith.constant 0 : i32
      %broadcast_in_dim3A_66 = vector.broadcast %jit3A_65 : i32 to vector<128x2048xi32>
      %select_n3A_67 = arith.select %eq3A_64, %iota3A_62, %broadcast_in_dim3A_66 : vector<128x2048xi1>, vector<128x2048xi32>
      %reduce_sum3A_68 = arith.constant dense<0> : vector<128xi32>
      %reduce_sum3A_69 = vector.multi_reduction <add>, %select_n3A_67, %reduce_sum3A_68 [1] : vector<128x2048xi32> to vector<128xi32>
      %jit3A_70 = arith.constant 0.000000e+00 : f32
      %broadcast_in_dim3A_71 = vector.shape_cast %broadcast_in_dim3A : vector<1x2048xf32> to vector<1x2048xf32>
      %broadcast_in_dim3A_72 = vector.broadcast %broadcast_in_dim3A_71 : vector<1x2048xf32> to vector<128x2048xf32>
      %broadcast_in_dim3A_73 = vector.broadcast %jit3A_70 : f32 to vector<128x2048xf32>
      %select_n3A_74 = arith.select %eq3A_64, %broadcast_in_dim3A_72, %broadcast_in_dim3A_73 : vector<128x2048xi1>, vector<128x2048xf32>
      %reduce_sum3A_75 = arith.constant dense<0.000000e+00> : vector<128xf32>
      %reduce_sum3A_76 = vector.multi_reduction <add>, %select_n3A_74, %reduce_sum3A_75 [1] : vector<128x2048xf32> to vector<128xf32>
      %mul3A_77 = arith.constant 128 : i32
      %mul3A_78 = arith.muli %scan3A_57, %mul3A_77 : i32
      %swap3A_79 = arith.constant 0 : index
      %swap3A_80 = arith.index_cast %mul3A_78 : i32 to index
      %swap3A_81 = vector.load %arg6[%swap3A_79, %swap3A_80] : memref<1x2048xf32, #tpu.memory_space<vmem>>, vector<1x128xf32>
      %swap3A_82 = vector.shape_cast %swap3A_81 : vector<1x128xf32> to vector<128xf32>
      %swap3A_83 = vector.shape_cast %reduce_sum3A_76 : vector<128xf32> to vector<1x128xf32>
      tpu.vector_store %arg6[%swap3A_79, %swap3A_80], %swap3A_83 {strides = array<i32>} : memref<1x2048xf32, #tpu.memory_space<vmem>>, vector<1x128xf32>,
      %mul3A_84 = arith.constant 128 : i32
      %mul3A_85 = arith.muli %scan3A_57, %mul3A_84 : i32
      %swap3A_86 = arith.constant 0 : index
      %swap3A_87 = arith.index_cast %mul3A_85 : i32 to index
      %swap3A_88 = vector.load %arg5[%swap3A_86, %swap3A_87] : memref<1x2048xi32, #tpu.memory_space<vmem>>, vector<1x128xi32>
      %swap3A_89 = vector.shape_cast %swap3A_88 : vector<1x128xi32> to vector<128xi32>
      %swap3A_90 = vector.shape_cast %reduce_sum3A_69 : vector<128xi32> to vector<1x128xi32>
      tpu.vector_store %arg5[%swap3A_86, %swap3A_87], %swap3A_90 {strides = array<i32>} : memref<1x2048xi32, #tpu.memory_space<vmem>>, vector<1x128xi32>,
    }
    %scan3A_16 = arith.constant 16 : i32
    %get3A_17 = arith.constant 0 : index
    %get3A_18 = arith.constant 0 : index
    %get3A_19 = vector.load %arg6[%get3A_17, %get3A_18] : memref<1x2048xf32, #tpu.memory_space<vmem>>, vector<1x2048xf32>
    %get3A_20 = vector.shape_cast %get3A_19 : vector<1x2048xf32> to vector<2048xf32>
    %iota3A = tpu.iota {dimensions = array<i32: 1>} : vector<1x2048xi32>
    %iota3A_21 = vector.shape_cast %iota3A : vector<1x2048xi32> to vector<2048xi32>
    %ge3A = arith.constant 1024 : i32
    %ge3A_22 = vector.broadcast %ge3A : i32 to vector<2048xi32>
    %ge3A_23 = arith.cmpi sge, %iota3A_21, %ge3A_22 : vector<2048xi32>
    %jit3A = arith.constant 0.000000e+00 : f32
    %broadcast_in_dim3A_24 = vector.broadcast %jit3A : f32 to vector<2048xf32>
    %select_n3A = arith.select %ge3A_23, %get3A_20, %broadcast_in_dim3A_24 : vector<2048xi1>, vector<2048xf32>
    %reduce_sum3A = vector.shape_cast %select_n3A : vector<2048xf32> to vector<1x2048xf32>
    %reduce_sum3A_25 = arith.constant dense<0.000000e+00> : vector<1xf32>
    %reduce_sum3A_26 = vector.multi_reduction <add>, %reduce_sum3A, %reduce_sum3A_25 [1] : vector<1x2048xf32> to vector<1xf32>
    %reduce_sum3A_27 = vector.shape_cast %reduce_sum3A_26 : vector<1xf32> to vector<1x1xf32>
    %reduce_sum3A_28 = vector.extract %reduce_sum3A_27[0, 0] : f32 from vector<1x1xf32>
    %get3A_29 = arith.constant 0 : index
    %get3A_30 = arith.constant 0 : index
    %get3A_31 = vector.load %arg5[%get3A_29, %get3A_30] : memref<1x2048xi32, #tpu.memory_space<vmem>>, vector<1x2048xi32>
    %get3A_32 = vector.shape_cast %get3A_31 : vector<1x2048xi32> to vector<2048xi32>
    %add3A = arith.constant 1 : i32
    %add3A_33 = vector.broadcast %add3A : i32 to vector<2048xi32>
    %add3A_34 = arith.addi %get3A_32, %add3A_33 : vector<2048xi32>
    %slice3A = vector.extract_strided_slice %add3A_34 {offsets = [1024], sizes = [1024], strides = [1]} : vector<2048xi32> to vector<1024xi32>
    %reshape3A = vector.shape_cast %slice3A : vector<1024xi32> to vector<8x128xi32>
    %swap3A = arith.constant 0 : index
    %swap3A_35 = arith.constant 0 : index
    %swap3A_36 = arith.constant 0 : index
    %swap3A_37 = vector.load %arg2[%swap3A, %swap3A_35, %swap3A_36] : memref<1x8x128xi32, #tpu.memory_space<vmem>>, vector<1x8x128xi32>
    %swap3A_38 = vector.shape_cast %swap3A_37 : vector<1x8x128xi32> to vector<8x128xi32>
    %swap3A_39 = vector.shape_cast %reshape3A : vector<8x128xi32> to vector<1x8x128xi32>
    tpu.vector_store %arg2[%swap3A, %swap3A_35, %swap3A_36], %swap3A_39 {strides = array<i32>} : memref<1x8x128xi32, #tpu.memory_space<vmem>>, vector<1x8x128xi32>,
    %slice3A_40 = vector.extract_strided_slice %add3A_34 {offsets = [0], sizes = [1024], strides = [1]} : vector<2048xi32> to vector<1024xi32>
    %reshape3A_41 = vector.shape_cast %slice3A_40 : vector<1024xi32> to vector<8x128xi32>
    %swap3A_42 = arith.constant 0 : index
    %swap3A_43 = arith.constant 0 : index
    %swap3A_44 = arith.constant 0 : index
    %swap3A_45 = vector.load %arg3[%swap3A_42, %swap3A_43, %swap3A_44] : memref<1x8x128xi32, #tpu.memory_space<vmem>>, vector<1x8x128xi32>
    %swap3A_46 = vector.shape_cast %swap3A_45 : vector<1x8x128xi32> to vector<8x128xi32>
    %swap3A_47 = vector.shape_cast %reshape3A_41 : vector<8x128xi32> to vector<1x8x128xi32>
    tpu.vector_store %arg3[%swap3A_42, %swap3A_43, %swap3A_44], %swap3A_47 {strides = array<i32>} : memref<1x8x128xi32, #tpu.memory_space<vmem>>, vector<1x8x128xi32>,
    %slice3A_48 = vector.extract_strided_slice %get3A_20 {offsets = [1024], sizes = [1024], strides = [1]} : vector<2048xf32> to vector<1024xf32>
    %div3A = vector.broadcast %reduce_sum3A_28 : f32 to vector<1024xf32>
    %div3A_49 = arith.divf %slice3A_48, %div3A : vector<1024xf32>
    %reshape3A_50 = vector.shape_cast %div3A_49 : vector<1024xf32> to vector<8x128xf32>
    %swap3A_51 = arith.constant 0 : index
    %swap3A_52 = arith.constant 0 : index
    %swap3A_53 = arith.constant 0 : index
    %swap3A_54 = vector.load %arg4[%swap3A_51, %swap3A_52, %swap3A_53] : memref<1x8x128xf32, #tpu.memory_space<vmem>>, vector<1x8x128xf32>
    %swap3A_55 = vector.shape_cast %swap3A_54 : vector<1x8x128xf32> to vector<8x128xf32>
    %swap3A_56 = vector.shape_cast %reshape3A_50 : vector<8x128xf32> to vector<1x8x128xf32>
    tpu.vector_store %arg4[%swap3A_51, %swap3A_52, %swap3A_53], %swap3A_56 {strides = array<i32>} : memref<1x8x128xf32, #tpu.memory_space<vmem>>, vector<1x8x128xf32>,
    return
  }
  func.func @transform_0(%arg0: i32) -> (i32, i32, i32) {
    %c0_i32 = arith.constant 0 : i32
    %c0_i32_0 = arith.constant 0 : i32
    %c0_i32_1 = arith.constant 0 : i32
    return %arg0, %c0_i32, %c0_i32_0 : i32, i32, i32
  }
  func.func @transform_1(%arg0: i32) -> (i32, i32, i32) {
    %c0_i32 = arith.constant 0 : i32
    %c0_i32_0 = arith.constant 0 : i32
    %c0_i32_1 = arith.constant 0 : i32
    return %arg0, %c0_i32, %c0_i32_0 : i32, i32, i32
  }
  func.func @transform_2(%arg0: i32) -> (i32, i32, i32) {
    %c0_i32 = arith.constant 0 : i32
    %c0_i32_0 = arith.constant 0 : i32
    %c0_i32_1 = arith.constant 0 : i32
    return %arg0, %c0_i32, %c0_i32_0 : i32, i32, i32
  }
  func.func @transform_3(%arg0: i32) -> (i32, i32, i32) {
    %c0_i32 = arith.constant 0 : i32
    %c0_i32_0 = arith.constant 0 : i32
    %c0_i32_1 = arith.constant 0 : i32
    return %arg0, %c0_i32, %c0_i32_0 : i32, i32, i32
  }
}

</mosaic_0001>

<sc_bundles>
// kernel: kernel.4.cloned.1.call-start
scs
__scs_entry_jumppad:
0x0: {  	(pc) =	sbr.rel $0x88, $3  }
0x1: {  	(tag) =	ssettag $0x0;
	lr =	simm.s32 $0x1  }
0x2: {  	[smem:$0x3F9D] =	sst lr;
	_ =	strace $0xD0000000  }
0x3: {  	_ = 	snop  }
0x4: {  	_ = 	snop  }
0x5: {  	_ = 	snop  }
0x6: {  	_ = 	snop  }
0x7: {  	_ = 	snop  }
__scs_overlays_trampoline_lowered:
0x8: {  	[smem:$0x3FAC] =	sst s0  }
0x9: {  	[smem:$0x3FAD] =	sst s1  }
0xa: {  	[smem:$0x3FAE] =	sst s2  }
0xb: {  	[smem:$0x3FAF] =	sst s3  }
0xc: {  	[smem:$0x3FB0] =	sst s4  }
0xd: {  	[smem:$0x3FB1] =	sst s5  }
0xe: {  	[smem:$0x3FB2] =	sst s6  }
0xf: {  	[smem:$0x3FB3] =	sst s7  }
0x10: {  	[smem:$0x3FB4] =	sst s8  }
0x11: {  	[smem:$0x3FB5] =	sst s9;
	s0 =	simm.s32 @!p0 $0x0  }
0x12: {  	s1 =	sld [smem:$0x3F9B];
	s0 =	simm.s32 @p0 $0x1  }
0x13: {  	[smem:$0x3FB6] =	sst s0;
	s0 =	simm.s32 @!p1 $0x0  }
0x14: {  	s2 =	sld [smem:$0x3F9A];
	s0 =	simm.s32 @p1 $0x1  }
0x15: {  	[smem:$0x3FB7] =	sst s0;
	s0 =	simm.s32 @!p2 $0x0  }
0x16: {  	s3 =	sld [smem:$0x3FDB];
	s0 =	simm.s32 @p2 $0x1  }
0x17: {  	s4 =	simm.s32 $0x1BF5;
	[smem:$0x3FB9] =	sst s0  }
0x18: {  	s0 =	sld [smem:$0x3F9C];
	_ =	swait.ge [sflag:s4], $0x0  }
0x19: {  	s7 =	sld [smem:$0x3F9D]  }
0x1a: {  	s8 =	sadd.s32 $0xFFFFE003, lr  }
0x1b: {  	s9 =	sadd.s32 $0xFFFFFEF7, lr;
	s5 =	simm.s32 $0xFFFFFFFF;
	p2 =	slt.u32 s8, $0xFFFFF086  }
0x1c: {  	p1 =	slt.u32 s9, $0xF7A;
	s5 =	simm.s32 @!p2 $0x0  }
0x1d: {  	s5 =	simm.s32 @p1 $0x1;
	p0 =	seq.s32 s7, s2  }
0x1e: {  	s7 =	smul.u32 @!p0 $0xF7A, s2;
	p2 =	seq.s32 @!p0 s5, $0x0  }
0x1f: {  	s9 =	smul.u32 $0xF7A, s1;
	s8 =	simm.s32 @!p0 $0x1BF5;
	p2 =	por !p2, p0  }
0x20: {  	[sflag:s8] =	ssyncset.s32 @!p0 $0xFFFFF086;
	s6 =	sadd.s32 @!p0 s3, s7;
	s7 =	simm.s32 @!p0 $0x108  }
0x21: {  	s3 =	sadd.s32 s3, s9;
	s6 =	sadd.s32 @!p0 $0x88, s6;
	s7 =	simm.s32 @p2 $0x1082  }
0x22: {  	[simem:s7], [sflag:s8] =	dma.local @!p0 [hbm:s6], $0xF7A  }
0x23: {  	s9 =	sor.u32 $0xD0000000, s2;
	s6 =	simm.s32 $0x108;
	_ =	swait.ge @!p0 [sflag:s8], $0x0  }
0x24: {  	s3 =	sadd.s32 $0x88, s3;
	s6 =	simm.s32 @!p1 $0x1082;
	[sflag:s4] =	ssyncset.s32 $0xFFFFF086  }
0x25: {  	[simem:s6], [sflag:s4] =	dma.local [hbm:s3], $0xF7A  }
0x26: {  	[smem:$0x3F9D] =	sst s1;
	(tag) =	ssettag s2;
	_ =	strace s9  }
0x27: {  	s1 =	sld [smem:$0x3FAD]  }
0x28: {  	s2 =	sld [smem:$0x3FAE]  }
0x29: {  	s4 =	sld [smem:$0x3FB0]  }
0x2a: {  	p0 =	seq.s32 s5, $0x0;
	s5 =	sld [smem:$0x3FB1]  }
0x2b: {  	s6 =	sld [smem:$0x3FB2]  }
0x2c: {  	s7 =	sld [smem:$0x3FB3]  }
0x2d: {  	s3 =	simm.s32 $0x108;
	s8 =	sld [smem:$0x3FB4]  }
0x2e: {  	s3 =	simm.s32 @!p0 $0x1082;
	s9 =	sld [smem:$0x3FB5]  }
0x2f: {  	lr =	sadd.s32 s0, s3;
	s0 =	sld [smem:$0x3FAC]  }
0x30: {  	s3 =	sld [smem:$0x3FAF]  }
0x31: {  	[smem:$0x3FB8] =	sst s10  }
0x32: {  	s10 =	sld [smem:$0x3FB6];
	_ =	sdelay $0x3  }
0x33: {  	p0 =	seq.s32 s10, $0x1;
	s10 =	sld [smem:$0x3FB8];
	_ =	sdelay $0x3  }
0x34: {  	[smem:$0x3FB8] =	sst s10  }
0x35: {  	s10 =	sld [smem:$0x3FB7];
	_ =	sdelay $0x3  }
0x36: {  	p1 =	seq.s32 s10, $0x1;
	s10 =	sld [smem:$0x3FB8];
	_ =	sdelay $0x3  }
0x37: {  	[smem:$0x3FB8] =	sst s10  }
0x38: {  	s10 =	sld [smem:$0x3FB9]  }
0x39: {  	_ = 	snop;
	(pc) =	sbr.ind lr, $3  }
0x3a: {  	_ = 	snop  }
0x3b: {  	_ = 	snop  }
0x3c: {  	p2 =	seq.s32 s10, $0x1;
	s10 =	sld [smem:$0x3FB8]  }
0x3d: {  	_ =	shalt  }
0x3e: {  	_ =	shalt  }
0x3f: {  	_ =	shalt  }
0x40: {  	_ =	shalt  }
0x41: {  	_ =	shalt  }
0x42: {  	_ =	shalt  }
0x43: {  	_ =	shalt  }
0x44: {  	_ =	shalt  }
0x45: {  	_ =	shalt  }
0x46: {  	_ =	shalt  }
0x47: {  	_ =	shalt  }
0x48: {  	_ =	shalt  }
0x49: {  	_ =	shalt  }
0x4a: {  	_ =	shalt  }
0x4b: {  	_ =	shalt  }
0x4c: {  	_ =	shalt  }
0x4d: {  	_ =	shalt  }
0x4e: {  	_ =	shalt  }
0x4f: {  	_ =	shalt  }
0x50: {  	_ =	shalt  }
0x51: {  	_ =	shalt  }
0x52: {  	_ =	shalt  }
0x53: {  	_ =	shalt  }
0x54: {  	_ =	shalt  }
0x55: {  	_ =	shalt  }
0x56: {  	_ =	shalt  }
0x57: {  	_ =	shalt  }
0x58: {  	_ =	shalt  }
0x59: {  	_ =	shalt  }
0x5a: {  	_ =	shalt  }
0x5b: {  	_ =	shalt  }
0x5c: {  	_ =	shalt  }
0x5d: {  	_ =	shalt  }
0x5e: {  	_ =	shalt  }
0x5f: {  	_ =	shalt  }
0x60: {  	_ =	shalt  }
0x61: {  	_ =	shalt  }
0x62: {  	_ =	shalt  }
0x63: {  	_ =	shalt  }
0x64: {  	_ =	shalt  }
0x65: {  	_ =	shalt  }
0x66: {  	_ =	shalt  }
0x67: {  	_ =	shalt  }
0x68: {  	_ =	shalt  }
0x69: {  	_ =	shalt  }
0x6a: {  	_ =	shalt  }
0x6b: {  	_ =	shalt  }
0x6c: {  	_ =	shalt  }
0x6d: {  	_ =	shalt  }
0x6e: {  	_ =	shalt  }
0x6f: {  	_ =	shalt  }
0x70: {  	_ =	shalt  }
0x71: {  	_ =	shalt  }
0x72: {  	_ =	shalt  }
0x73: {  	_ =	shalt  }
0x74: {  	_ =	shalt  }
0x75: {  	_ =	shalt  }
0x76: {  	_ =	shalt  }
0x77: {  	_ =	shalt  }
0x78: {  	_ =	shalt  }
0x79: {  	_ =	shalt  }
0x7a: {  	_ =	shalt  }
0x7b: {  	_ =	shalt  }
0x7c: {  	_ =	shalt  }
0x7d: {  	_ =	shalt  }
0x7e: {  	_ =	shalt  }
0x7f: {  	_ =	shalt  }
0x80: {  	_ =	shalt  }
0x81: {  	_ =	shalt  }
0x82: {  	_ =	shalt  }
0x83: {  	_ =	shalt  }
0x84: {  	_ =	shalt  }
0x85: {  	_ =	shalt  }
0x86: {  	_ =	shalt  }
0x87: {  	_ =	shalt  }
.Lfunc_end0:
.L_simem_size_0:
called_computation_lowered:
.L_overlay_start_0:
0x88: {  	s2 =	sld [smem:$0x3FD9]  }
0x89: {  	s3 =	sld [smem:$0x3FFE];
	_ =	sdelay $0x1  }
0x8a: {  	s1 =	srdreg.scid  }
0x8b: {  	s0 =	sand.u32 $0x1, s1  }
0x8c: {  	s17 =	sshll.u32 s0, $0xA;
	s2 =	sadd.s32 s3, s2  }
0x8d: {  	s2 =	sadd.s32 s2, s17  }
0x8e: {  	[smem:$0x3FC4] =	sst s2  }
0x8f: {  	_ = 	snop  }
0x90: {  	s2 =	sld [smem:$0x3FD0];
	(tm) =	ssettm $0x1  }
0x91: {  	s18 =	sld [smem:$0x3FFB];
	_ =	sdelay $0x3  }
0x92: {  	_ =	strace s18  }
0x93: {  	s3 =	sld [smem:$0x3FFC];
	_ =	sdelay $0x3  }
0x94: {  	_ =	strace s3  }
0x95: {  	s3 =	sld [smem:$0x3FFD];
	_ =	sdelay $0x3  }
0x96: {  	_ =	strace s3  }
0x97: {  	_ =	strace $0x8FFFFFFF  }
0x98: {  	s19 =	sld [smem:$0x3FDB];
	_ =	sdelay $0x1  }
0x99: {  	s4 =	simm.s32 $_scs_section_size  }
0x9a: {  	s5 =	simm.s32 $_size__tile_overlayer_lowered;
	s6 =	simm.s32 $_tile_overlayer_lowered  }
0x9b: {  	s22 =	simm.s32 $0x1BFF;
	s21 =	sshll.u32 s6, $0x1;
	s3 =	sadd.s32 s4, s19  }
0x9c: {  	s7 =	simm.s32 $0x0;
	s20 =	sshll.u32 s5, $0x1;
	s5 =	sadd.s32 s21, s3  }
0x9d: {  	[timem:s7], [sflag:s22] =	dma.local [hbm:s5], s20  }
0x9e: {  	_ =	swait.ge [sflag:s22], s20  }
0x9f: {  	s4 =	ssub.s32 $0x0, s20;
	[sflag:s22] =	ssyncset.done $0x0  }
0xa0: {  	[sflag:s22] =	ssyncadd.s32 s4;
	_ =	sdelay $0x1  }
0xa1: {  	s23 =	simm.s32 $0x1B8B  }
0xa2: {  	_ =	swait.ge [sflag:s23], $0x1  }
0xa3: {  	[sflag:s23] =	ssyncset.done $0x0  }
0xa4: {  	s25 =	simm.s32 $0x1B8E;
	s24 =	sld [smem:$0x3FFE];
	[sflag:s23] =	ssyncadd.s32 $0xFFFFFFFF  }
0xa5: {  	s26 =	simm.s32 $execute0_lowered;
	[smem:$0x3FD2] =	sst s25  }
0xa6: {  	s5 =	sshll.u32 s26, $0x1;
	_ =	strace $0x80000046;
	[dreg:$0x1] =	wrdreg $0xFFFFFFFF  }
0xa7: {  	s28 =	simm.s32 $_size_execute0_lowered;
	s3 =	sadd.s32 s3, s5;
	[dreg:$0x0] =	wrdreg $0x0  }
0xa8: {  	s5 =	sshll.u32 s28, $0x1;
	[dreg:$0x2] =	wrdreg s3  }
0xa9: {  	[dreg:$0x3] =	wrdreg s5  }
0xaa: {  	[dreg:$0x4] =	wrdreg $0xC0  }
0xab: {  	_ =	task [dreg:s7], $0x5FFFF  }
0xac: {  	[dreg:$0x1] =	wrdreg $0xFFFFFFFF  }
0xad: {  	[dreg:$0x0] =	wrdreg $0x60  }
0xae: {  	[dreg:$0x2] =	wrdreg s2  }
0xaf: {  	[dreg:$0x3] =	wrdreg s24  }
0xb0: {  	[dreg:$0x4] =	wrdreg $0x1B0000  }
0xb1: {  	[dreg:$0x5] =	wrdreg $0x9  }
0xb2: {  	_ =	task.clear_ibuf [dreg:s7], $0x6FFFF;
	_ =	strace $0x90000046  }
0xb3: {  	s29 =	simm.s32 $0x9;
	_ =	strace $0x80000048  }
0xb4: {  	_ =	swait.ge [sflag:s29], $0x1  }
0xb5: {  	[sflag:s29] =	ssyncadd.s32 $0xFFFFFFFF  }
0xb6: {  	_ =	strace $0x90000048  }
0xb7: {  	_ =	sfence  }
0xb8: {  	s30 =	sld [smem:$0x0];
	_ =	sdelay $0x2  }
0xb9: {  	s31 =	sshll.u32 s1, $0xD;
	s1 =	sshrl.u32 s1, $0x2  }
0xba: {  	s3 =	sand.u32 $0x4000, s31;
	s1 =	sadd.s32 s1, s30  }
0xbb: {  	s0 =	sor.u32 s3, s0;
	s1 =	sshll.u32 s1, $0x11  }
0xbc: {  	s0 =	sor.u32 s1, s0  }
0xbd: {  	s0 =	sadd.s32 $0x8F2B, s0  }
0xbe: {  	[sflag:s0] =	ssyncadd.remote.s32 $0x1  }
0xbf: {  	_ =	sfence.sel $0xFFFF  }
0xc0: {  	[dreg:$0x0] =	wrdreg $0xFFFFFFFF;
	(pc) =	sbr.abs _section_cstart, $3  }
0xc1: {  	[dreg:$0x1] =	wrdreg $0xFFFFFFFF  }
0xc2: {  	_ =	task.clear_ibuf [dreg:s7], $0x2FFFF;
	_ =	strace $0x9FFFFFFF  }
0xc3: {  	(tm) =	ssettm $0x7FFFFFFF  }
tec
execute0_lowered:
.L_overlay_start_1:
0x0: {  	(tag) =	ssettag $0x1  }
0x1: {  	s6 =	rddreg [dreg:$0x0]  }
0x2: {  	s4 =	rddreg [dreg:$0x1];
	s0 =	srdreg.scid  }
0x3: {  	s8 =	rddreg [dreg:$0x2];
	s1 =	stileid.u32  }
0x4: {  	s2 =	simm.s32 $0x0;
	s17 =	simm.s32 $0x18080;
	s18 =	simm.s32 $0x80  }
0x5: {  	s19 =	simm.s32 $0x1;
	s20 =	simm.s32 $0x18900;
	s21 =	simm.s32 $0x18C00  }
0x6: {  	s23 =	simm.s32 $0x0;
	s3 =	sand.u32 $0x1, s0;
	s7 =	sshrl.u32 s1, $0x3  }
0x7: {  	s22 =	sand.u32 $0x7, s1;
	[smem:$0x7FF] =	sst s2;
	s12 =	smul.u32 $0xC00, s1  }
0x8: {  	s13 =	sadd.s32 $0x2200, s4;
	s5 =	sshll.u32 s3, $0x1;
	s10 =	sshll.u32 s22, $0x4  }
0x9: {  	_ =	strace $0x80000047;
	s25 =	ssub.s32 $0x2, s3;
	s28 =	smul.u32 $0x18000, s22  }
0xa: {  	s3 =	sadd.s32 $0x2000, s4;
	s16 =	smul.u32 $0x6000, s7;
	p0 =	sne.s32 s22, $0x0  }
0xb: {  	s22 =	simm.s32 $0x1AD00;
	s5 =	sor.u32 s7, s5;
	s26 =	sshrl.u32 s25, $0x1  }
0xc: {  	s12 =	sshrl.u32 s12, $0x2;
	s9 =	sshll.u32 s5, $0x7;
	s11 =	smul.u32 $0x180300, s5  }
0xd: {  	s14 =	ssub.s32 s25, s26;
	s7 =	sadd.s32 s12, s8;
	s29 =	sshrl.u32 s16, $0x2  }
0xe: {  	s16 =	simm.s32 $0x18000;
	s9 =	sor.u32 s10, s9;
	s8 =	sadd.s32 s29, s8  }
0xf: {  	s10 =	sadd.s32 s9, s4;
	s15 =	sshrl.u32 s11, $0x3;
	s9 =	sadd.s32 s28, s11  }
.Ltmp0:
0x10: {  	s4 =	sadd.s32 $0x1A00, s10;
	s5 =	sadd.s32 $0x1E00, s10;
	(pc) =	sbr.rel .LBB2_1-.Ltmp0, $4  }
0x11: {  	s6 =	sadd.s32 s6, s15;
	s11 =	sshrl.u32 s9, $0x3;
	s30 =	sadd.s32 $0x300, s9  }
0x12: {  	s10 =	sadd.s32 $0x1C00, s10;
	s12 =	sadd.s32 s13, s15;
	s11 =	sadd.s32 s13, s11  }
0x13: {  	s15 =	simm.s32 $0x2;
	s31 =	sshrl.u32 s30, $0x3;
	s9 =	sadd.s32 $0x18060, s11  }
0x14: {  	v0 =	vlaneseq.u32;
	s11 =	sadd.s32 s13, s31;
	s13 =	smax.u32 s14, $0x1;
	s14 =	simm.s32 $0x1A700  }
.LBB2_19:
0x15: {  	s23 =	sadd.s32 $0x1, s23  }
0x16: {  	p1 =	sne.s32 s23, s13  }
.Ltmp1:
0x17: {  	_ = 	snop;
	(pc) =	sbr.rel @!p1 .LBB2_20-.Ltmp1, $1  }
0x18: {  	_ =	sdelay $0x3  }
.LBB2_1:
0x19: {  	[tilespmem:s14], [sflag:$0x2] =	stream.linear.gather [hbm4b:s3+s2], $0x600, $0x38;
	[tilespmem:$0x1B300] =	vst v63  }
0x1a: {  	_ =	swait.ge [sflag:s15], $0x600  }
0x1b: {  	[sflag:s15] =	ssyncset.done $0x0  }
0x1c: {  	[sflag:s15] =	ssyncadd.s32 $0xFFFFFA00  }
0x1d: {  	[tilespmem:s16], [sflag:$0x2] =	stream.linear.gather [hbm4b:s4+s2], $0x80, $0x38;
	[tilespmem:$0x1B300] =	vst v63  }
0x1e: {  	_ =	swait.ge [sflag:s15], $0x80  }
0x1f: {  	[sflag:s15] =	ssyncset.done $0x0  }
0x20: {  	[sflag:s15] =	ssyncadd.s32 $0xFFFFFF80  }
0x21: {  	[tilespmem:s17], [sflag:$0x2] =	stream.linear.gather [hbm4b:s5+s2], $0x80, $0x38;
	[tilespmem:$0x1B300] =	vst v63  }
0x22: {  	_ =	swait.ge [sflag:s15], $0x80  }
0x23: {  	[sflag:s15] =	ssyncset.done $0x0  }
0x24: {  	s24 =	sand.u32 $0x70, s2;
	[sflag:s15] =	ssyncadd.s32 $0xFFFFFF80  }
0x25: {  	[tilespmem:s2], [sflag:$0x1] =	stream.indirect.gather [hbm4b:s6+s18], $0x300, s16, s18, $0xb8;
	[tilespmem:$0x1B300] =	vst v63  }
0x26: {  	v1 =	vld [tilespmem:s24+$0x18080]  }
0x27: {  	s28 =	sand.u32 $0xF, s2  }
0x28: {  	s24 =	sadd.s32 $0x1, s28  }
0x29: {  	s26 =	sand.u32 $0xE, s2;
	v2 =	vmov s24  }
0x2a: {  	s25 =	simm.s32 $0x2;
	v3 =	vmov s26;
	vm0 =	veq.s32 v2, v0  }
0x2b: {  	s29 =	sand.u32 $0x70, s25;
	vm1 =	veq.s32 v3, v0;
	v3 =	vnsel vm0, $0x0, v1  }
0x2c: {  	v2 =	vld [tilespmem:s29+$0x18080];
	(xrf2) =	vadd.scan.msk.f32 $0xffff, v3  }
0x2d: {  	s30 =	sand.u32 $0xF, s25;
	v1 =	vnsel vm1, $0x0, v1  }
0x2e: {  	s24 =	sadd.s32 $0x1, s30;
	(xrf2) =	vadd.scan.msk.f32 $0xffff, v1  }
0x2f: {  	v3 =	vmov s24  }
0x30: {  	s31 =	simm.s32 $0x4;
	vm0 =	veq.s32 v3, v0  }
0x31: {  	s0 =	sand.u32 $0x70, s31;
	v1 =	vnsel vm0, $0x0, v2  }
0x32: {  	s25 =	sand.u32 $0xE, s25;
	(xrf2) =	vadd.scan.msk.f32 $0xffff, v1;
	v1 =	vld [tilespmem:s0+$0x18080]  }
0x33: {  	s28 =	sand.u32 $0xF, s31;
	v3 =	vmov s25  }
0x34: {  	s25 =	sadd.s32 $0x1, s28;
	vm0 =	veq.s32 v3, v0  }
0x35: {  	s24 =	sand.u32 $0xE, s31;
	v4 =	vmov s25;
	v2 =	vnsel vm0, $0x0, v2  }
0x36: {  	v3 =	vmov s24;
	vm0 =	veq.s32 v4, v0;
	v5, _, _ =	vpop (xrf2);
	(xrf2) =	vadd.scan.msk.f32 $0xffff, v2  }
0x37: {  	s29 =	simm.s32 $0x6;
	vm1 =	veq.s32 v3, v0;
	v2 =	vnsel vm0, $0x0, v1  }
0x38: {  	s26 =	sand.u32 $0x70, s29;
	s31 =	sand.u32 $0xF, s29;
	v63 =	vnsel vm1, $0x0, v1;
	v62, _, _ =	vpop (xrf2);
	(xrf2) =	vadd.scan.msk.f32 $0xffff, v2  }
0x39: {  	s25 =	sadd.s32 $0x1, s31;
	v1 =	vld [tilespmem:s26+$0x18080];
	(xrf2) =	vadd.scan.msk.f32 $0xffff, v63  }
0x3a: {  	v61 =	vbroadcast v5, $0xF;
	v2 =	vmov s25  }
0x3b: {  	s30 =	sand.u32 $0xE, s29;
	s24 =	simm.s32 $0x18110;
	v3 =	vbroadcast v62, $0xF  }
0x3c: {  	v6 =	vmov s30;
	[tilespmem:s24+$0x0] =	vst v61  }
0x3d: {  	vm0 =	veq.s32 v6, v0;
	s25 =	simm.s32 $0x8;
	vm1 =	veq.s32 v2, v0;
	v2, _, _ =	vpop (xrf2);
	[tilespmem:s24+$0xFFFFFFF0] =	vst v3  }
.LBB2_2:
0x3e: {  	s26 =	sand.u32 $0x70, s25;
	p1 =	slt.u32 s25, $0x7E;
	v3 =	vnsel vm0, $0x0, v1;
	v4 =	vnsel vm1, $0x0, v1;
	v5 =	vbroadcast v2, $0xF  }
.Ltmp2:
0x3f: {  	s24 =	sadd.s32 $0x20, s24;
	v1 =	vld [tilespmem:s26+$0x18080];
	(xrf2) =	vadd.scan.msk.f32 $0xffff, v4;
	(pc) =	sbr.rel @p1 .LBB2_2-.Ltmp2, $4  }
0x40: {  	s26 =	sand.u32 $0xF, s25;
	[tilespmem:s24+$0x0] =	vst v5;
	v2, _, _ =	vpop (xrf2)  }
0x41: {  	s28 =	sand.u32 $0xE, s25;
	s26 =	sadd.s32 $0x1, s26;
	v4 =	vbroadcast v2, $0xF  }
0x42: {  	v6 =	vmov s28;
	v5 =	vmov s26;
	(xrf2) =	vadd.scan.msk.f32 $0xffff, v3  }
0x43: {  	s25 =	sadd.s32 $0x2, s25;
	vm0 =	veq.s32 v6, v0;
	vm1 =	veq.s32 v5, v0;
	v2, _, _ =	vpop (xrf2);
	[tilespmem:s24+$0xFFFFFFF0] =	vst v4  }
0x44: {  	v3 =	vnsel vm1, $0x0, v1  }
0x45: {  	v1 =	vnsel vm0, $0x0, v1;
	(xrf2) =	vadd.scan.msk.f32 $0xffff, v3  }
0x46: {  	(xrf2) =	vadd.scan.msk.f32 $0xffff, v1;
	_ =	sdelay $0x5  }
0x47: {  	v2 =	vbroadcast v2, $0xF;
	v1, _, _ =	vpop (xrf2)  }
0x48: {  	s24 =	sadd.s32 $0x20, s24;
	v1 =	vbroadcast v1, $0xF;
	v3, _, _ =	vpop (xrf2)  }
0x49: {  	[tilespmem:s24+$0x0] =	vst v2;
	v2 =	vbroadcast v3, $0xF;
	v3, _, _ =	vpop (xrf2)  }
0x4a: {  	[tilespmem:s24+$0xFFFFFFF0] =	vst v1;
	s24 =	sadd.s32 $0x20, s24;
	v1 =	vbroadcast v3, $0xF;
	v3, _, _ =	vpop (xrf2)  }
0x4b: {  	[tilespmem:s24+$0x0] =	vst v2;
	v2 =	vbroadcast v3, $0xF;
	v3, _, _ =	vpop (xrf2)  }
0x4c: {  	[tilespmem:s24+$0xFFFFFFF0] =	vst v1;
	s24 =	sadd.s32 $0x20, s24;
	v1 =	vbroadcast v3, $0xF  }
0x4d: {  	[tilespmem:s24+$0x0] =	vst v2  }
0x4e: {  	[tilespmem:s24+$0xFFFFFFF0] =	vst v1  }
0x4f: {  	_ =	swait.ge [sflag:s19], $0x18000  }
0x50: {  	s26 =	simm.s32 $0x0;
	[sflag:s19] =	ssyncset.done $0x0  }
0x51: {  	s25 =	simm.s32 $0x610;
	s24 =	simm.s32 $0x600;
	[sflag:s19] =	ssyncadd.s32 $0xFFFE8000  }
.LBB2_4:
0x52: {  	s28 =	simm.s32 $0x0;
	v4 =	vld [tilespmem:s24+$0x300]  }
0x53: {  	v5 =	vld [tilespmem:s28+$0x18130]  }
0x54: {  	v8 =	vld [tilespmem:s24+$0xFFFFFA00]  }
0x55: {  	v9 =	vld [tilespmem:s24+$0xFFFFFD00]  }
0x56: {  	v11 =	vld [tilespmem:s24+$0x0]  }
0x57: {  	v2 =	vld [tilespmem:s28+$0x18100]  }
0x58: {  	v3 =	vld [tilespmem:s28+$0x18110];
	v4 =	vmul.f32 v4, v5  }
0x59: {  	s29 =	sadd.s32 $0xC00, s24;
	v1 =	vld [tilespmem:s28+$0x18120];
	v5 =	vimm.f32 $0.0e+00  }
0x5a: {  	s31 =	simm.s32 $0x40;
	s30 =	simm.s32 $0x200;
	v7 =	vimm.f32 $0.0e+00;
	v6 =	vimm.f32 $0.0e+00;
	s28 =	sshll.u32 s26, $0x4;
	v10 =	vld [tilespmem:s29+$0x300];
	v4 =	vadd.f32 v4, v5  }
.LBB2_5:
0x5b: {  	p1 =	sne.s32 s30, $0x1F00;
	v12 =	vld [tilespmem:s31+$0x18130]  }
0x5c: {  	v8 =	vmul.f32 v8, v2;
	v2 =	vld [tilespmem:s31+$0x18100]  }
0x5d: {  	v9 =	vmul.f32 v9, v3;
	v3 =	vld [tilespmem:s31+$0x18110]  }
.Ltmp3:
0x5e: {  	v5 =	vadd.f32 v8, v5;
	v11 =	vmul.f32 v11, v1;
	v1 =	vld [tilespmem:s31+$0x18120];
	(pc) =	sbr.rel @p1 .LBB2_5-.Ltmp3, $4  }
0x5f: {  	v8 =	vld [tilespmem:s29+$0xFFFFFA00];
	v7 =	vadd.f32 v9, v7  }
0x60: {  	v9 =	vld [tilespmem:s29+$0xFFFFFD00];
	v12 =	vmul.f32 v10, v12;
	v6 =	vadd.f32 v11, v6  }
0x61: {  	v11 =	vld [tilespmem:s29+$0x0];
	s29 =	sadd.s32 $0xC00, s29  }
0x62: {  	s31 =	sshra.s32 s30, $0x2;
	s30 =	sadd.s32 $0x100, s30;
	v10 =	vld [tilespmem:s29+$0x300];
	v4 =	vadd.f32 v12, v4  }
0x63: {  	v12 =	vld [tilespmem:s31+$0x18130]  }
0x64: {  	v13 =	vld [tilespmem:s31+$0x18100]  }
0x65: {  	v14 =	vld [tilespmem:s31+$0x18110]  }
0x66: {  	v15 =	vld [tilespmem:s31+$0x18120]  }
0x67: {  	v16 =	vld [tilespmem:s29+$0xFFFFFA00]  }
0x68: {  	v17 =	vld [tilespmem:s29+$0xFFFFFD00]  }
0x69: {  	v18 =	vld [tilespmem:s29+$0x0]  }
0x6a: {  	v2 =	vmul.f32 v8, v2  }
0x6b: {  	v3 =	vmul.f32 v9, v3  }
0x6c: {  	v2 =	vadd.f32 v2, v5;
	v1 =	vmul.f32 v11, v1  }
0x6d: {  	v3 =	vadd.f32 v3, v7;
	v5 =	vmul.f32 v10, v12;
	v7 =	vmul.f32 v16, v13  }
0x6e: {  	s29 =	simm.s32 $0x0;
	v1 =	vadd.f32 v1, v6;
	v6 =	vmul.f32 v17, v14;
	v8 =	vmul.f32 v18, v15;
	v10 =	vld [tilespmem:s25+$0x300]  }
0x6f: {  	v4 =	vadd.f32 v5, v4;
	v5 =	vadd.f32 v7, v2;
	v7 =	vld [tilespmem:s29+$0x18130]  }
0x70: {  	v9 =	vld [tilespmem:s25+$0xFFFFFD00];
	v3 =	vadd.f32 v6, v3;
	v6 =	vadd.f32 v8, v1  }
0x71: {  	v1 =	vld [tilespmem:s29+$0x18100]  }
0x72: {  	v2 =	vld [tilespmem:s29+$0x18110];
	v5 =	vadd.f32 v3, v5;
	v4 =	vadd.f32 v4, v6  }
0x73: {  	v8 =	vld [tilespmem:s25+$0xFFFFFA00]  }
0x74: {  	v3 =	vld [tilespmem:s29+$0x18120];
	v5 =	vadd.f32 v4, v5;
	v6 =	vmul.f32 v10, v7  }
0x75: {  	s29 =	sadd.s32 $0xC00, s25;
	v4 =	vimm.f32 $0.0e+00;
	v10 =	vld [tilespmem:s25+$0x0]  }
0x76: {  	s31 =	simm.s32 $0x40;
	s30 =	simm.s32 $0x200;
	v11 =	vld [tilespmem:s29+$0x300];
	v7 =	vimm.f32 $0.0e+00;
	[tilespmem:s28+$0x18900] =	vst v5;
	s28 =	sor.u32 $0x10, s28;
	v5 =	vadd.f32 v6, v4;
	v6 =	vimm.f32 $0.0e+00  }
.LBB2_7:
0x77: {  	p1 =	sne.s32 s30, $0x1F00;
	v12 =	vld [tilespmem:s31+$0x18130]  }
0x78: {  	v8 =	vmul.f32 v8, v1;
	v1 =	vld [tilespmem:s31+$0x18100]  }
0x79: {  	v9 =	vmul.f32 v9, v2;
	v2 =	vld [tilespmem:s31+$0x18110]  }
.Ltmp4:
0x7a: {  	v4 =	vadd.f32 v8, v4;
	v10 =	vmul.f32 v10, v3;
	v3 =	vld [tilespmem:s31+$0x18120];
	(pc) =	sbr.rel @p1 .LBB2_7-.Ltmp4, $4  }
0x7b: {  	v8 =	vld [tilespmem:s29+$0xFFFFFA00];
	v7 =	vadd.f32 v9, v7  }
0x7c: {  	v9 =	vld [tilespmem:s29+$0xFFFFFD00];
	v12 =	vmul.f32 v11, v12;
	v6 =	vadd.f32 v10, v6  }
0x7d: {  	v10 =	vld [tilespmem:s29+$0x0];
	s29 =	sadd.s32 $0xC00, s29  }
0x7e: {  	s31 =	sshra.s32 s30, $0x2;
	s30 =	sadd.s32 $0x100, s30;
	v11 =	vld [tilespmem:s29+$0x300];
	v5 =	vadd.f32 v12, v5  }
0x7f: {  	v12 =	vld [tilespmem:s31+$0x18130]  }
0x80: {  	v13 =	vld [tilespmem:s31+$0x18100]  }
0x81: {  	v14 =	vld [tilespmem:s31+$0x18110]  }
0x82: {  	v15 =	vld [tilespmem:s31+$0x18120]  }
0x83: {  	v16 =	vld [tilespmem:s29+$0xFFFFFA00]  }
0x84: {  	v17 =	vld [tilespmem:s29+$0xFFFFFD00]  }
0x85: {  	v18 =	vld [tilespmem:s29+$0x0]  }
0x86: {  	v1 =	vmul.f32 v8, v1  }
0x87: {  	v2 =	vmul.f32 v9, v2  }
0x88: {  	v1 =	vadd.f32 v1, v4;
	v3 =	vmul.f32 v10, v3  }
0x89: {  	v2 =	vadd.f32 v2, v7;
	v60 =	vmul.f32 v11, v12;
	v61 =	vmul.f32 v16, v13  }
0x8a: {  	v3 =	vadd.f32 v3, v6;
	v62 =	vmul.f32 v17, v14;
	v63 =	vmul.f32 v18, v15  }
0x8b: {  	v4 =	vadd.f32 v60, v5;
	v1 =	vadd.f32 v61, v1  }
0x8c: {  	v2 =	vadd.f32 v62, v2;
	v3 =	vadd.f32 v63, v3  }
0x8d: {  	p1 =	slt.u32 s26, $0x2E  }
.Ltmp5:
0x8e: {  	v1 =	vadd.f32 v2, v1;
	v2 =	vadd.f32 v4, v3;
	(pc) =	sbr.rel @p1 .LBB2_4-.Ltmp5, $4  }
0x8f: {  	_ = 	snop  }
0x90: {  	v1 =	vadd.f32 v2, v1  }
0x91: {  	s31 =	sadd.s32 $0x2, s26  }
0x92: {  	s24 =	sadd.s32 $0x20, s24;
	s25 =	sadd.s32 $0x20, s25;
	s26 =	smov.u32 s31;
	[tilespmem:s28+$0x18900] =	vst v1  }
0x93: {  	[spmem:s7] =	stream.linear.scatter [tilespmem:s20], [sflag:$0x2], $0x300, $0x38;
	[tilespmem:$0x1B300] =	vst v63  }
0x94: {  	_ =	swait.ge [sflag:s15], $0x300  }
0x95: {  	[sflag:s15] =	ssyncset.done $0x0  }
0x96: {  	[sflag:s15] =	ssyncadd.s32 $0xFFFFFD00  }
0x97: {  	[bflag:$0x0] =	sbarrier.arrive $0xFFFF  }
0x98: {  	[tilespmem:s21], [sflag:$0x2] =	stream.linear.gather [spmem:s8], $0x1800, $0x38;
	[tilespmem:$0x1B300] =	vst v63  }
0x99: {  	_ =	swait.ge [sflag:s15], $0x1800  }
0x9a: {  	[sflag:s15] =	ssyncset.done $0x0  }
0x9b: {  	s24 =	simm.s32 $0x19800;
	[sflag:s15] =	ssyncadd.s32 $0xFFFFE800  }
0x9c: {  	v1 =	vld [tilespmem:s24+$0xFFFFF410]  }
0x9d: {  	v2 =	vld [tilespmem:s24+$0xFFFFF710]  }
0x9e: {  	v3 =	vld [tilespmem:s24+$0xFFFFF700]  }
0x9f: {  	v4 =	vld [tilespmem:s24+$0xFFFFFA10]  }
0xa0: {  	v5 =	vld [tilespmem:s24+$0xFFFFF400]  }
0xa1: {  	v6 =	vld [tilespmem:s24+$0xFFFFFD10]  }
0xa2: {  	v7 =	vld [tilespmem:s24+$0xFFFFFA00];
	v1 =	vadd.f32 v2, v1  }
0xa3: {  	v2 =	vld [tilespmem:s24+$0x10]  }
0xa4: {  	v8 =	vld [tilespmem:s24+$0xFFFFFD00];
	v1 =	vadd.f32 v4, v1  }
0xa5: {  	v3 =	vadd.f32 v3, v5;
	v4 =	vld [tilespmem:s24+$0x310]  }
0xa6: {  	v5 =	vld [tilespmem:s24+$0x0];
	v1 =	vadd.f32 v6, v1  }
0xa7: {  	v3 =	vadd.f32 v7, v3;
	v6 =	vld [tilespmem:s24+$0x610]  }
0xa8: {  	v7 =	vld [tilespmem:s24+$0x300];
	v1 =	vadd.f32 v2, v1  }
0xa9: {  	v2 =	vadd.f32 v8, v3;
	v3 =	vld [tilespmem:s24+$0x910]  }
0xaa: {  	s25 =	simm.s32 $0x1AA10;
	v8 =	vld [tilespmem:s24+$0x600];
	v1 =	vadd.f32 v4, v1  }
0xab: {  	v2 =	vadd.f32 v5, v2;
	v4 =	vld [tilespmem:s25+$0xFFFFFD00]  }
0xac: {  	v5 =	vld [tilespmem:s24+$0x900];
	v1 =	vadd.f32 v6, v1  }
0xad: {  	v2 =	vadd.f32 v7, v2  }
0xae: {  	v6 =	vld [tilespmem:s25+$0xFFFFFCF0];
	v1 =	vadd.f32 v3, v1  }
0xaf: {  	v2 =	vadd.f32 v8, v2  }
0xb0: {  	v3 =	vmul.f32 v4, v1  }
0xb1: {  	v2 =	vadd.f32 v5, v2  }
0xb2: {  	s26 =	simm.s32 $0x19820;
	v3 =	vmax.f32 v3, $-2.000000000e+00  }
0xb3: {  	v7 =	vld [tilespmem:s26+$0xFFFFF710];
	v4 =	vmul.f32 v6, v2;
	v3 =	vmin.f32 v3, $2.000000000e+00  }
0xb4: {  	v5 =	vld [tilespmem:s26+$0xFFFFF410];
	v6 =	vmul.f32 v3, v3  }
0xb5: {  	v10 =	vld [tilespmem:s26+$0xFFFFFA10];
	v4 =	vmax.f32 v4, $-2.000000000e+00  }
0xb6: {  	v12 =	vld [tilespmem:s26+$0xFFFFF400];
	v4 =	vmin.f32 v4, $2.000000000e+00;
	v9 =	vmul.f32 $1.859809970e-03, v6  }
0xb7: {  	v8 =	vld [tilespmem:s26+$0xFFFFF700];
	v11 =	vmul.f32 v4, v4  }
0xb8: {  	v13 =	vld [tilespmem:s26+$0xFFFFFD10];
	v9 =	vadd.f32 $-2.140484940e-02, v9  }
0xb9: {  	v15 =	vld [tilespmem:s26+$0xFFFFFA00];
	v5 =	vadd.f32 v7, v5;
	v14 =	vmul.f32 $1.859809970e-03, v11  }
0xba: {  	v7 =	vmul.f32 v9, v6;
	v9 =	vld [tilespmem:s26+$0x10]  }
0xbb: {  	v16 =	vld [tilespmem:s26+$0xFFFFFD00];
	v5 =	vadd.f32 v10, v5;
	v14 =	vadd.f32 $-2.140484940e-02, v14  }
0xbc: {  	v8 =	vadd.f32 v8, v12;
	v10 =	vld [tilespmem:s26+$0x310];
	v7 =	vadd.f32 $1.047005500e-01, v7  }
0xbd: {  	v5 =	vadd.f32 v13, v5;
	v12 =	vmul.f32 v14, v11;
	v14 =	vld [tilespmem:s26+$0x0]  }
0xbe: {  	v8 =	vadd.f32 v15, v8;
	v13 =	vld [tilespmem:s26+$0x610];
	v7 =	vmul.f32 v7, v6  }
0xbf: {  	v15 =	vld [tilespmem:s26+$0x300];
	v12 =	vadd.f32 $1.047005500e-01, v12;
	v5 =	vadd.f32 v9, v5  }
0xc0: {  	v8 =	vadd.f32 v16, v8;
	v9 =	vld [tilespmem:s26+$0x910];
	v7 =	vadd.f32 $-3.243084550e-01, v7  }
0xc1: {  	s0 =	simm.s32 $0x1AA30;
	v50 =	vld [tilespmem:s26+$0x600];
	v12 =	vmul.f32 v12, v11;
	v5 =	vadd.f32 v10, v5  }
0xc2: {  	v6 =	vmul.f32 v7, v6;
	v7 =	vadd.f32 v14, v8;
	v8 =	vld [tilespmem:s0+$0xFFFFFD00]  }
0xc3: {  	v10 =	vadd.f32 $-3.243084550e-01, v12;
	v12 =	vld [tilespmem:s26+$0x900];
	v5 =	vadd.f32 v13, v5  }
0xc4: {  	v13 =	vld [tilespmem:s0+$0xFFFFFCF0];
	v6 =	vadd.f32 $1.000000000e+00, v6;
	v7 =	vadd.f32 v15, v7  }
0xc5: {  	v10 =	vmul.f32 v10, v11;
	v11 =	vld [tilespmem:s25+$0x0];
	v5 =	vadd.f32 v9, v5  }
0xc6: {  	v9 =	vmul.f32 v6, v3;
	v3 =	vadd.f32 v50, v7  }
0xc7: {  	v6 =	vadd.f32 $1.000000000e+00, v10;
	v8 =	vmul.f32 v8, v5  }
0xc8: {  	v7 =	vld [tilespmem:s25+$0xFFFFFFF0];
	v10 =	vadd.f32 v9, v1;
	v15 =	vadd.f32 v12, v3  }
0xc9: {  	s31 =	simm.s32 $0x19840;
	v1 =	vmul.f32 v6, v4;
	v3 =	vmax.f32 v8, $-2.000000000e+00  }
0xca: {  	v8 =	vld [tilespmem:s31+$0xFFFFF410];
	v4 =	vmul.f32 v10, v11;
	v6 =	vmul.f32 v13, v15;
	v3 =	vmin.f32 v3, $2.000000000e+00  }
0xcb: {  	v2 =	vadd.f32 v1, v2;
	v11 =	vld [tilespmem:s31+$0xFFFFF710];
	v10 =	vmul.f32 v3, v3  }
0xcc: {  	v17 =	vld [tilespmem:s31+$0xFFFFF400];
	v4 =	vmax.f32 v4, $-2.000000000e+00;
	v6 =	vmax.f32 v6, $-2.000000000e+00  }
0xcd: {  	v14 =	vld [tilespmem:s31+$0xFFFFFA10];
	v2 =	vmul.f32 v2, v7;
	v7 =	vmin.f32 v4, $2.000000000e+00;
	v12 =	vmul.f32 $1.859809970e-03, v10  }
0xce: {  	v4 =	vld [tilespmem:s31+$0xFFFFF700];
	v6 =	vmin.f32 v6, $2.000000000e+00;
	v13 =	vmul.f32 v7, v7  }
0xcf: {  	v19 =	vld [tilespmem:s31+$0xFFFFFD10];
	v51 =	vmul.f32 v6, v6;
	v2 =	vmax.f32 v2, $-2.000000000e+00;
	v12 =	vadd.f32 $-2.140484940e-02, v12  }
0xd0: {  	v22 =	vld [tilespmem:s31+$0xFFFFFA00];
	v2 =	vmin.f32 v2, $2.000000000e+00;
	v8 =	vadd.f32 v11, v8;
	v18 =	vmul.f32 $1.859809970e-03, v13  }
0xd1: {  	v52 =	vld [tilespmem:s31+$0x10];
	v20 =	vmul.f32 $1.859809970e-03, v51;
	v21 =	vmul.f32 v2, v2  }
0xd2: {  	v11 =	vmul.f32 v12, v10;
	v8 =	vadd.f32 v14, v8;
	v12 =	vadd.f32 $-2.140484940e-02, v18  }
0xd3: {  	v24 =	vld [tilespmem:s31+$0xFFFFFD00];
	v20 =	vadd.f32 $-2.140484940e-02, v20;
	v23 =	vmul.f32 $1.859809970e-03, v21;
	v4 =	vadd.f32 v4, v17  }
0xd4: {  	v14 =	vld [tilespmem:s31+$0x310];
	v11 =	vadd.f32 $1.047005500e-01, v11;
	v8 =	vadd.f32 v19, v8  }
0xd5: {  	v55 =	vld [tilespmem:s31+$0x0];
	v12 =	vmul.f32 v12, v13;
	v53 =	vmul.f32 v20, v51;
	v54 =	vadd.f32 $-2.140484940e-02, v23  }
0xd6: {  	v4 =	vadd.f32 v22, v4;
	v11 =	vmul.f32 v11, v10;
	v8 =	vadd.f32 v52, v8  }
0xd7: {  	v56 =	vld [tilespmem:s31+$0x610];
	v12 =	vadd.f32 $1.047005500e-01, v12;
	v17 =	vadd.f32 $1.047005500e-01, v53  }
0xd8: {  	v57 =	vld [tilespmem:s31+$0x300];
	v20 =	vmul.f32 v54, v21;
	v4 =	vadd.f32 v24, v4;
	v11 =	vadd.f32 $-3.243084550e-01, v11  }
0xd9: {  	v58 =	vld [tilespmem:s31+$0x910];
	v8 =	vadd.f32 v14, v8;
	v12 =	vmul.f32 v12, v13;
	v17 =	vmul.f32 v17, v51  }
0xda: {  	v20 =	vadd.f32 $1.047005500e-01, v20;
	v4 =	vadd.f32 v55, v4;
	v10 =	vmul.f32 v11, v10  }
0xdb: {  	v59 =	vld [tilespmem:s31+$0x600];
	v11 =	vadd.f32 $-3.243084550e-01, v12;
	v14 =	vadd.f32 $-3.243084550e-01, v17  }
0xdc: {  	s26 =	simm.s32 $0x1AA50;
	v8 =	vadd.f32 v56, v8;
	v60 =	vmul.f32 v20, v21;
	v10 =	vadd.f32 $1.000000000e+00, v10  }
0xdd: {  	v12 =	vld [tilespmem:s26+$0xFFFFFD00];
	v11 =	vmul.f32 v11, v13;
	v13 =	vadd.f32 v57, v4;
	v14 =	vmul.f32 v14, v51  }
0xde: {  	v61 =	vld [tilespmem:s31+$0x900];
	v17 =	vadd.f32 $-3.243084550e-01, v60;
	v4 =	vadd.f32 v58, v8  }
0xdf: {  	v62 =	vld [tilespmem:s0+$0x0];
	v8 =	vadd.f32 $1.000000000e+00, v11;
	v11 =	vadd.f32 $1.000000000e+00, v14  }
0xe0: {  	v63 =	vld [tilespmem:s26+$0xFFFFFCF0];
	v3 =	vmul.f32 v10, v3;
	v10 =	vadd.f32 v59, v13;
	v13 =	vmul.f32 v17, v21  }
0xe1: {  	v8 =	vmul.f32 v8, v7;
	v7 =	vmul.f32 v11, v6;
	v6 =	vld [tilespmem:s0+$0xFFFFFFF0]  }
0xe2: {  	v12 =	vmul.f32 v12, v4;
	v14 =	vadd.f32 v3, v5;
	v11 =	vld [tilespmem:s26+$0xFFFFFFF0]  }
0xe3: {  	v5 =	vadd.f32 v61, v10;
	v10 =	vadd.f32 $1.000000000e+00, v13  }
0xe4: {  	s29 =	simm.s32 $0x4;
	v13 =	vmax.f32 v12, $-2.000000000e+00;
	v12 =	vmul.f32 v14, v62;
	v9 =	vadd.f32 v8, v9  }
0xe5: {  	s30 =	simm.s32 $0x19860;
	s28 =	simm.s32 $0x1AA50;
	s25 =	simm.s32 $0x1A410;
	v14 =	vmul.f32 v63, v5;
	v8 =	vmin.f32 v13, $2.000000000e+00;
	v13 =	vadd.f32 v7, v15  }
.LBB2_10:
0xe6: {  	v15 =	vld [tilespmem:s30+$0xFFFFF410];
	v16 =	vmul.f32 v8, v8;
	v12 =	vmax.f32 v12, $-2.000000000e+00;
	v2 =	vmul.f32 v10, v2;
	[tilespmem:s25+$0x0] =	vst v9;
	s24 =	simm.s32 $0x20  }
0xe7: {  	s29 =	sadd.s32 $0x2, s29;
	v9 =	vld [tilespmem:s30+$0xFFFFF710];
	v10 =	vmax.f32 v14, $-2.000000000e+00;
	v13 =	vmul.f32 v13, v6;
	v12 =	vmin.f32 v12, $2.000000000e+00;
	v6 =	vmovc v11  }
0xe8: {  	p1 =	slt.u32 s29, $0x2E;
	v11 =	vld [tilespmem:s30+$0xFFFFF700];
	v10 =	vmin.f32 v10, $2.000000000e+00;
	v14 =	vmul.f32 $1.859809970e-03, v16;
	v17 =	vmul.f32 v12, v12  }
0xe9: {  	v20 =	vadd.f32 v2, v1;
	v1 =	vmovc v7;
	v18 =	vld [tilespmem:s30+$0xFFFFFA10];
	v19 =	vmul.f32 v10, v10;
	v13 =	vmax.f32 v13, $-2.000000000e+00  }
0xea: {  	v7 =	vld [tilespmem:s30+$0xFFFFF400];
	v14 =	vadd.f32 $-2.140484940e-02, v14;
	v2 =	vmin.f32 v13, $2.000000000e+00;
	v13 =	vmul.f32 $1.859809970e-03, v17  }
0xeb: {  	v21 =	vld [tilespmem:s30+$0xFFFFFD10];
	v22 =	vmul.f32 $1.859809970e-03, v19;
	v23 =	vmul.f32 v2, v2;
	[tilespmem:s25+$0xFFFFFFF0] =	vst v20  }
0xec: {  	v20 =	vld [tilespmem:s30+$0xFFFFFA00];
	v9 =	vadd.f32 v9, v15;
	v14 =	vmul.f32 v14, v16;
	v13 =	vadd.f32 $-2.140484940e-02, v13  }
0xed: {  	v15 =	vld [tilespmem:s30+$0x10];
	v22 =	vadd.f32 $-2.140484940e-02, v22;
	v24 =	vmul.f32 $1.859809970e-03, v23  }
0xee: {  	v25 =	vld [tilespmem:s30+$0xFFFFFD00];
	v9 =	vadd.f32 v18, v9;
	v14 =	vadd.f32 $1.047005500e-01, v14;
	v13 =	vmul.f32 v13, v17  }
0xef: {  	v7 =	vadd.f32 v11, v7;
	v11 =	vld [tilespmem:s30+$0x310];
	v18 =	vmul.f32 v22, v19;
	v22 =	vadd.f32 $-2.140484940e-02, v24  }
0xf0: {  	v24 =	vld [tilespmem:s30+$0x0];
	v9 =	vadd.f32 v21, v9;
	v14 =	vmul.f32 v14, v16;
	v13 =	vadd.f32 $1.047005500e-01, v13  }
0xf1: {  	v7 =	vadd.f32 v20, v7;
	v20 =	vld [tilespmem:s30+$0x610];
	v18 =	vadd.f32 $1.047005500e-01, v18;
	v21 =	vmul.f32 v22, v23  }
0xf2: {  	v22 =	vld [tilespmem:s30+$0x300];
	v9 =	vadd.f32 v15, v9;
	v14 =	vadd.f32 $-3.243084550e-01, v14;
	v13 =	vmul.f32 v13, v17  }
0xf3: {  	v7 =	vadd.f32 v25, v7;
	v15 =	vld [tilespmem:s30+$0x910];
	v18 =	vmul.f32 v18, v19;
	v21 =	vadd.f32 $1.047005500e-01, v21  }
0xf4: {  	s26 =	sadd.s32 $0x20, s26;
	v25 =	vld [tilespmem:s30+$0x600];
	v9 =	vadd.f32 v11, v9;
	v11 =	vmul.f32 v14, v16;
	v13 =	vadd.f32 $-3.243084550e-01, v13  }
0xf5: {  	v7 =	vadd.f32 v24, v7;
	v14 =	vld [tilespmem:s26+$0xFFFFFD00];
	v16 =	vadd.f32 $-3.243084550e-01, v18;
	v18 =	vmul.f32 v21, v23  }
0xf6: {  	v21 =	vld [tilespmem:s30+$0x900];
	v9 =	vadd.f32 v20, v9;
	v11 =	vadd.f32 $1.000000000e+00, v11;
	v13 =	vmul.f32 v13, v17  }
0xf7: {  	v7 =	vadd.f32 v22, v7;
	v16 =	vmul.f32 v16, v19;
	v17 =	vld [tilespmem:s28+$0x0];
	v18 =	vadd.f32 $-3.243084550e-01, v18;
	s28 =	smov.u32 s26  }
0xf8: {  	v19 =	vld [tilespmem:s26+$0xFFFFFCF0];
	v9 =	vadd.f32 v15, v9;
	v8 =	vmul.f32 v11, v8;
	v13 =	vadd.f32 $1.000000000e+00, v13  }
.Ltmp6:
0xf9: {  	v7 =	vadd.f32 v25, v7;
	v11 =	vld [tilespmem:s26+$0xFFFFFFF0];
	v15 =	vadd.f32 $1.000000000e+00, v16;
	v16 =	vmul.f32 v18, v23;
	(pc) =	sbr.rel @p1 .LBB2_10-.Ltmp6, $4  }
0xfa: {  	v14 =	vmul.f32 v14, v9;
	v18 =	vadd.f32 v8, v4;
	v13 =	vmul.f32 v13, v12;
	v4 =	vmovc v9  }
0xfb: {  	v20 =	vadd.f32 v21, v7;
	v7 =	vmul.f32 v15, v10;
	v10 =	vadd.f32 $1.000000000e+00, v16  }
0xfc: {  	v15 =	vmax.f32 v14, $-2.000000000e+00;
	v12 =	vmul.f32 v18, v17;
	v9 =	vadd.f32 v13, v3;
	v3 =	vmovc v8  }
0xfd: {  	s25 =	sadd.s32 $0x20, s25;
	s30 =	sadd.s32 $0x20, s30;
	v14 =	vmul.f32 v19, v20;
	v8 =	vmin.f32 v15, $2.000000000e+00;
	v13 =	vadd.f32 v7, v5;
	v5 =	vmovc v20  }
0xfe: {  	_ = 	snop  }
0xff: {  	v14 =	vmax.f32 v14, $-2.000000000e+00  }
0x100: {  	v15 =	vmul.f32 v8, v8;
	v14 =	vmin.f32 v14, $2.000000000e+00  }
0x101: {  	v16 =	vmul.f32 v14, v14  }
0x102: {  	v17 =	vmul.f32 $1.859809970e-03, v15  }
0x103: {  	v18 =	vmul.f32 $1.859809970e-03, v16  }
0x104: {  	v17 =	vadd.f32 $-2.140484940e-02, v17  }
0x105: {  	v18 =	vadd.f32 $-2.140484940e-02, v18  }
0x106: {  	v17 =	vmul.f32 v17, v15  }
0x107: {  	v18 =	vmul.f32 v18, v16  }
0x108: {  	v17 =	vadd.f32 $1.047005500e-01, v17  }
0x109: {  	v18 =	vadd.f32 $1.047005500e-01, v18  }
0x10a: {  	v17 =	vmul.f32 v17, v15  }
0x10b: {  	v18 =	vmul.f32 v18, v16  }
0x10c: {  	v17 =	vadd.f32 $-3.243084550e-01, v17  }
0x10d: {  	v18 =	vadd.f32 $-3.243084550e-01, v18  }
0x10e: {  	v15 =	vmul.f32 v17, v15  }
0x10f: {  	v16 =	vmul.f32 v18, v16  }
0x110: {  	v15 =	vadd.f32 $1.000000000e+00, v15  }
0x111: {  	v54 =	vld [tilespmem:s28+$0x0];
	v16 =	vadd.f32 $1.000000000e+00, v16  }
0x112: {  	v8 =	vmul.f32 v15, v8  }
0x113: {  	v14 =	vmul.f32 v16, v14  }
0x114: {  	v4 =	vadd.f32 v8, v4  }
0x115: {  	v6 =	vmul.f32 v13, v6;
	v5 =	vadd.f32 v14, v5  }
0x116: {  	v12 =	vmax.f32 v12, $-2.000000000e+00;
	v4 =	vmul.f32 v4, v54  }
0x117: {  	v12 =	vmin.f32 v12, $2.000000000e+00;
	v6 =	vmax.f32 v6, $-2.000000000e+00;
	v5 =	vmul.f32 v5, v11  }
0x118: {  	v6 =	vmin.f32 v6, $2.000000000e+00;
	v4 =	vmax.f32 v4, $-2.000000000e+00;
	v11 =	vmul.f32 v12, v12  }
0x119: {  	v55 =	vmul.f32 v6, v6;
	v4 =	vmin.f32 v4, $2.000000000e+00;
	v5 =	vmax.f32 v5, $-2.000000000e+00  }
0x11a: {  	v57 =	vmul.f32 v4, v4;
	v56 =	vmul.f32 $1.859809970e-03, v11;
	v5 =	vmin.f32 v5, $2.000000000e+00  }
0x11b: {  	v58 =	vmul.f32 $1.859809970e-03, v55;
	v59 =	vmul.f32 v5, v5  }
0x11c: {  	v19 =	vmul.f32 $1.859809970e-03, v57;
	v15 =	vadd.f32 $-2.140484940e-02, v56  }
0x11d: {  	v17 =	vadd.f32 $-2.140484940e-02, v58;
	v20 =	vmul.f32 $1.859809970e-03, v59  }
0x11e: {  	v19 =	vadd.f32 $-2.140484940e-02, v19;
	v15 =	vmul.f32 v15, v11  }
0x11f: {  	v17 =	vmul.f32 v17, v55;
	v20 =	vadd.f32 $-2.140484940e-02, v20  }
0x120: {  	v19 =	vmul.f32 v19, v57;
	v15 =	vadd.f32 $1.047005500e-01, v15  }
0x121: {  	v17 =	vadd.f32 $1.047005500e-01, v17;
	v20 =	vmul.f32 v20, v59  }
0x122: {  	v19 =	vadd.f32 $1.047005500e-01, v19;
	v15 =	vmul.f32 v15, v11  }
0x123: {  	v17 =	vmul.f32 v17, v55;
	v20 =	vadd.f32 $1.047005500e-01, v20  }
0x124: {  	v19 =	vmul.f32 v19, v57;
	v15 =	vadd.f32 $-3.243084550e-01, v15  }
0x125: {  	v17 =	vadd.f32 $-3.243084550e-01, v17;
	v20 =	vmul.f32 v20, v59  }
0x126: {  	v60 =	vadd.f32 $-3.243084550e-01, v19;
	v11 =	vmul.f32 v15, v11  }
0x127: {  	v13 =	vmul.f32 v17, v55;
	v61 =	vadd.f32 $-3.243084550e-01, v20  }
0x128: {  	v15 =	vmul.f32 v60, v57;
	v11 =	vadd.f32 $1.000000000e+00, v11  }
0x129: {  	v2 =	vmul.f32 v10, v2;
	v10 =	vadd.f32 $1.000000000e+00, v13;
	v62 =	vmul.f32 v61, v59  }
0x12a: {  	v63 =	vadd.f32 $1.000000000e+00, v15;
	v11 =	vmul.f32 v11, v12  }
0x12b: {  	s26 =	simm.s32 $0x0;
	v1 =	vadd.f32 v2, v1;
	v2 =	vmul.f32 v10, v6;
	v6 =	vadd.f32 $1.000000000e+00, v62  }
0x12c: {  	[tilespmem:s25+$0x0] =	vst v9;
	s26 =	smulhi.u32 $0xAAAAAAAB, s26;
	v4 =	vmul.f32 v63, v4;
	v3 =	vadd.f32 v11, v3  }
0x12d: {  	s0 =	sadd.s32 $0x20, s25;
	[tilespmem:s25+$0xFFFFFFF0] =	vst v1;
	v1 =	vadd.f32 v2, v7;
	v2 =	vmul.f32 v6, v5  }
0x12e: {  	s26 =	sshrl.u32 s26, $0x5;
	[tilespmem:s0+$0x0] =	vst v3;
	v3 =	vadd.f32 v4, v8  }
0x12f: {  	s25 =	sadd.s32 $0x20, s0;
	s26 =	smul.u32 $0xC00, s26;
	[tilespmem:s0+$0xFFFFFFF0] =	vst v1;
	v1 =	vadd.f32 v2, v14  }
0x130: {  	[tilespmem:s25+$0x0] =	vst v3  }
0x131: {  	s31 =	ssub.s32 $0x0, s26;
	[tilespmem:s25+$0xFFFFFFF0] =	vst v1  }
0x132: {  	s25 =	sshra.s32 s31, $0x2;
	v4 =	vld [tilespmem:s24+$0x10]  }
0x133: {  	s0 =	simm.s32 $0x4;
	v7 =	vld [tilespmem:s25+$0x1A430]  }
0x134: {  	s26 =	smulhi.u32 $0xAAAAAAAB, s0;
	v3 =	vld [tilespmem:s25+$0x1A400]  }
0x135: {  	v2 =	vld [tilespmem:s25+$0x1A410]  }
0x136: {  	s26 =	sshrl.u32 s26, $0x5;
	v1 =	vld [tilespmem:s25+$0x1A420]  }
0x137: {  	s31 =	smul.u32 $0xC00, s26;
	v6 =	vld [tilespmem:s24+$0xFFFFFFE0]  }
0x138: {  	v5 =	vld [tilespmem:s24+$0xFFFFFFF0]  }
0x139: {  	s25 =	simm.s32 $0x60;
	s26 =	ssub.s32 $0x100, s31;
	v8 =	vadd.f32 v7, v4;
	v7 =	vld [tilespmem:s24+$0x0]  }
0x13a: {  	s30 =	sshra.s32 s26, $0x2;
	v4 =	vld [tilespmem:s25+$0x10]  }
0x13b: {  	s28 =	simm.s32 $0x100;
	s29 =	simm.s32 $0x8;
	s26 =	simm.s32 $0x4;
	[tilespmem:s24+$0x10] =	vst v8;
	v8 =	vld [tilespmem:s30+$0x1A430]  }
.LBB2_12:
0x13c: {  	s31 =	smulhi.u32 $0xAAAAAAAB, s29  }
0x13d: {  	s26 =	sadd.s32 $0x4, s26;
	v6 =	vadd.f32 v3, v6;
	v3 =	vld [tilespmem:s30+$0x1A400]  }
0x13e: {  	p1 =	slt.u32 s26, $0x17FC;
	v5 =	vadd.f32 v2, v5;
	v2 =	vld [tilespmem:s30+$0x1A410];
	s31 =	sshrl.u32 s31, $0x5  }
0x13f: {  	[tilespmem:s24+$0xFFFFFFE0] =	vst v6;
	v7 =	vadd.f32 v1, v7;
	v1 =	vld [tilespmem:s30+$0x1A420];
	s30 =	smul.u32 $0xC00, s31  }
.Ltmp7:
0x140: {  	v6 =	vld [tilespmem:s25+$0xFFFFFFE0];
	[tilespmem:s24+$0xFFFFFFF0] =	vst v5;
	(pc) =	sbr.rel @p1 .LBB2_12-.Ltmp7, $4  }
0x141: {  	s28 =	sadd.s32 $0x100, s28;
	v5 =	vld [tilespmem:s25+$0xFFFFFFF0];
	v8 =	vadd.f32 v8, v4;
	[tilespmem:s24+$0x0] =	vst v7;
	s24 =	smov.u32 s25  }
0x142: {  	s25 =	sadd.s32 $0x40, s25;
	s30 =	ssub.s32 s28, s30;
	v7 =	vld [tilespmem:s24+$0x0]  }
0x143: {  	s30 =	sshra.s32 s30, $0x2;
	v4 =	vld [tilespmem:s25+$0x10];
	[tilespmem:s24+$0x10] =	vst v8  }
0x144: {  	s29 =	sadd.s32 $0x4, s29;
	v8 =	vld [tilespmem:s30+$0x1A430]  }
0x145: {  	v9 =	vld [tilespmem:s30+$0x1A400]  }
0x146: {  	v10 =	vld [tilespmem:s30+$0x1A410]  }
0x147: {  	v11 =	vld [tilespmem:s30+$0x1A420]  }
0x148: {  	v12 =	vld [tilespmem:s25+$0xFFFFFFE0]  }
0x149: {  	v3 =	vadd.f32 v3, v6;
	v6 =	vld [tilespmem:s25+$0xFFFFFFF0]  }
0x14a: {  	v2 =	vadd.f32 v2, v5;
	v5 =	vld [tilespmem:s25+$0x0]  }
0x14b: {  	[tilespmem:s24+$0xFFFFFFE0] =	vst v3;
	v1 =	vadd.f32 v1, v7  }
0x14c: {  	[tilespmem:s24+$0xFFFFFFF0] =	vst v2;
	v2 =	vadd.f32 v8, v4  }
0x14d: {  	[tilespmem:s24+$0x0] =	vst v1;
	v1 =	vadd.f32 v9, v12  }
0x14e: {  	[tilespmem:s25+$0x10] =	vst v2;
	v2 =	vadd.f32 v10, v6  }
0x14f: {  	[tilespmem:s25+$0xFFFFFFE0] =	vst v1;
	v1 =	vadd.f32 v11, v5  }
0x150: {  	[tilespmem:s25+$0xFFFFFFF0] =	vst v2  }
0x151: {  	s31 =	simm.s32 $0x0;
	[tilespmem:s25+$0x0] =	vst v1  }
0x152: {  	[hbm4b:s9+s31] =	stream.linear.scatter [tilespmem:s31], [sflag:$0x1], $0x18000, $0x38;
	[tilespmem:$0x1B300] =	vst v63  }
0x153: {  	_ =	swait.ge [sflag:s19], $0x18000  }
0x154: {  	[sflag:s19] =	ssyncset.done $0x0  }
0x155: {  	s0 =	smulhi.u32 $0xAAAAAAAB, s31;
	[sflag:s19] =	ssyncadd.s32 $0xFFFE8000  }
0x156: {  	[tilespmem:s16], [sflag:$0x2] =	stream.linear.gather [hbm4b:s10+s31], $0x80, $0x38;
	[tilespmem:$0x1B300] =	vst v63  }
0x157: {  	_ =	swait.ge [sflag:s15], $0x80  }
0x158: {  	s26 =	sshrl.u32 s0, $0x5;
	[sflag:s15] =	ssyncset.done $0x0  }
0x159: {  	s24 =	smul.u32 $0xFFFFF400, s26;
	[sflag:s15] =	ssyncadd.s32 $0xFFFFFF80  }
0x15a: {  	[tilespmem:s31], [sflag:$0x1] =	stream.indirect.gather [hbm4b:s6+s18], $0x300, s16, s18, $0xb8;
	[tilespmem:$0x1B300] =	vst v63  }
0x15b: {  	_ =	swait.ge [sflag:s19], $0x18000  }
0x15c: {  	s30 =	sshra.s32 s24, $0x2;
	[sflag:s19] =	ssyncset.done $0x0  }
0x15d: {  	s24 =	simm.s32 $0x0;
	s26 =	sadd.s32 $0x0, s30;
	[sflag:s19] =	ssyncadd.s32 $0xFFFE8000  }
0x15e: {  	s25 =	sadd.s32 $0x1A700, s26;
	v1 =	vld [tilespmem:s24+$0x30]  }
0x15f: {  	v2 =	vld [tilespmem:s25+$0x30];
	_ =	sdelay $0x1  }
0x160: {  	v4 =	vld [tilespmem:s24+$0x0]  }
0x161: {  	v3 =	vld [tilespmem:s25+$0x10]  }
0x162: {  	v5 =	vld [tilespmem:s25+$0x20]  }
0x163: {  	v6 =	vld [tilespmem:s26+$0x1A700];
	v2 =	vmul.f32 v2, v1  }
0x164: {  	v7 =	vld [tilespmem:s24+$0x10]  }
0x165: {  	v8 =	vld [tilespmem:s24+$0x20];
	v2 =	vmax.f32 v2, $-2.000000000e+00  }
0x166: {  	v2 =	vmin.f32 v2, $2.000000000e+00  }
0x167: {  	v9 =	vmul.f32 v2, v2;
	_ =	sdelay $0x1  }
0x168: {  	v3 =	vmul.f32 v3, v7;
	v10 =	vmul.f32 $1.859809970e-03, v9  }
0x169: {  	v6 =	vmul.f32 v6, v4;
	v5 =	vmul.f32 v5, v8  }
0x16a: {  	v3 =	vmax.f32 v3, $-2.000000000e+00;
	v10 =	vadd.f32 $-2.140484940e-02, v10  }
0x16b: {  	v6 =	vmax.f32 v6, $-2.000000000e+00;
	v5 =	vmax.f32 v5, $-2.000000000e+00;
	v3 =	vmin.f32 v3, $2.000000000e+00  }
0x16c: {  	v5 =	vmin.f32 v5, $2.000000000e+00;
	v11 =	vmul.f32 v3, v3;
	v10 =	vmul.f32 v10, v9  }
0x16d: {  	v6 =	vmin.f32 v6, $2.000000000e+00;
	v12 =	vmul.f32 v5, v5  }
0x16e: {  	v13 =	vmul.f32 v6, v6;
	v14 =	vmul.f32 $1.859809970e-03, v11;
	v10 =	vadd.f32 $1.047005500e-01, v10  }
0x16f: {  	v15 =	vmul.f32 $1.859809970e-03, v12  }
0x170: {  	v16 =	vmul.f32 $1.859809970e-03, v13;
	v14 =	vadd.f32 $-2.140484940e-02, v14;
	v10 =	vmul.f32 v10, v9  }
0x171: {  	v15 =	vadd.f32 $-2.140484940e-02, v15  }
0x172: {  	v16 =	vadd.f32 $-2.140484940e-02, v16;
	v14 =	vmul.f32 v14, v11;
	v10 =	vadd.f32 $-3.243084550e-01, v10  }
0x173: {  	v15 =	vmul.f32 v15, v12  }
0x174: {  	v16 =	vmul.f32 v16, v13;
	v14 =	vadd.f32 $1.047005500e-01, v14;
	v9 =	vmul.f32 v10, v9  }
0x175: {  	v10 =	vadd.f32 $1.047005500e-01, v15  }
0x176: {  	v14 =	vmul.f32 v14, v11;
	v15 =	vadd.f32 $1.047005500e-01, v16;
	v9 =	vadd.f32 $1.000000000e+00, v9  }
0x177: {  	v16 =	vld [tilespmem:s25+$0x330];
	v10 =	vmul.f32 v10, v12  }
0x178: {  	s31 =	simm.s32 $0x4;
	v14 =	vadd.f32 $-3.243084550e-01, v14;
	v15 =	vmul.f32 v15, v13;
	v2 =	vmul.f32 v9, v2  }
0x179: {  	s26 =	smulhi.u32 $0xAAAAAAAB, s31;
	v9 =	vadd.f32 $-3.243084550e-01, v10  }
0x17a: {  	v11 =	vmul.f32 v14, v11;
	v10 =	vadd.f32 $-3.243084550e-01, v15;
	v14 =	vadd.f32 v2, v1  }
0x17b: {  	s26 =	sshrl.u32 s26, $0x5;
	v1 =	vmul.f32 v9, v12  }
0x17c: {  	s26 =	smul.u32 $0xFFFFF400, s26;
	v2 =	vmul.f32 v10, v13;
	v9 =	vadd.f32 $1.000000000e+00, v11;
	v10 =	vmul.f32 v14, v16  }
0x17d: {  	v11 =	vld [tilespmem:s25+$0x310];
	v1 =	vadd.f32 $1.000000000e+00, v1  }
0x17e: {  	s26 =	sshra.s32 s26, $0x2;
	v12 =	vld [tilespmem:s25+$0x320];
	v2 =	vadd.f32 $1.000000000e+00, v2;
	v3 =	vmul.f32 v9, v3;
	v9 =	vmax.f32 v10, $-2.000000000e+00  }
0x17f: {  	s26 =	sadd.s32 $0x40, s26;
	v10 =	vld [tilespmem:s25+$0x300];
	v1 =	vmul.f32 v1, v5;
	v13 =	vmin.f32 v9, $2.000000000e+00  }
0x180: {  	v18 =	vld [tilespmem:s26+$0x1A700];
	v2 =	vmul.f32 v2, v6;
	v3 =	vadd.f32 v3, v7;
	s25 =	simm.s32 $0x40;
	v15 =	vmul.f32 v13, v13  }
0x181: {  	v7 =	vld [tilespmem:s25+$0x0];
	v1 =	vadd.f32 v1, v8  }
0x182: {  	s29 =	sadd.s32 $0x1A700, s26;
	v2 =	vadd.f32 v2, v4;
	v4 =	vmul.f32 v3, v11;
	v11 =	vld [tilespmem:s25+$0x30];
	v5 =	vmul.f32 $1.859809970e-03, v15  }
0x183: {  	v6 =	vmul.f32 v1, v12;
	v12 =	vld [tilespmem:s29+$0x30]  }
0x184: {  	v17 =	vld [tilespmem:s29+$0x20];
	v4 =	vmax.f32 v4, $-2.000000000e+00;
	v8 =	vmul.f32 v2, v10;
	v9 =	vadd.f32 $-2.140484940e-02, v5  }
0x185: {  	v16 =	vld [tilespmem:s29+$0x10];
	v5 =	vmin.f32 v4, $2.000000000e+00;
	v4 =	vmax.f32 v6, $-2.000000000e+00  }
0x186: {  	v10 =	vld [tilespmem:s25+$0x20];
	v18 =	vmul.f32 v18, v7;
	v8 =	vmax.f32 v8, $-2.000000000e+00;
	v19 =	vmul.f32 v9, v15  }
0x187: {  	v6 =	vmin.f32 v4, $2.000000000e+00;
	v21 =	vmul.f32 v5, v5;
	v4 =	vmin.f32 v8, $2.000000000e+00;
	v9 =	vld [tilespmem:s25+$0x10]  }
0x188: {  	v26 =	vmul.f32 v6, v6;
	v12 =	vmul.f32 v12, v11;
	v19 =	vadd.f32 $1.047005500e-01, v19  }
0x189: {  	v8 =	vmul.f32 v4, v4;
	v20 =	vmul.f32 $1.859809970e-03, v21  }
0x18a: {  	v22 =	vmul.f32 $1.859809970e-03, v26;
	v12 =	vmax.f32 v12, $-2.000000000e+00;
	v19 =	vmul.f32 v19, v15  }
0x18b: {  	v17 =	vmul.f32 v17, v10;
	v20 =	vadd.f32 $-2.140484940e-02, v20;
	v24 =	vmin.f32 v12, $2.000000000e+00  }
0x18c: {  	v12 =	vmul.f32 v16, v9;
	v25 =	vmul.f32 v24, v24;
	v16 =	vadd.f32 $-3.243084550e-01, v19  }
0x18d: {  	v23 =	vmul.f32 $1.859809970e-03, v8;
	v22 =	vadd.f32 $-2.140484940e-02, v22;
	v20 =	vmul.f32 v20, v21  }
0x18e: {  	v12 =	vmax.f32 v12, $-2.000000000e+00;
	v19 =	vmul.f32 $1.859809970e-03, v25;
	v15 =	vmul.f32 v16, v15  }
0x18f: {  	v22 =	vmul.f32 v22, v26;
	v16 =	vmin.f32 v12, $2.000000000e+00;
	v12 =	vmax.f32 v17, $-2.000000000e+00  }
0x190: {  	v17 =	vmin.f32 v12, $2.000000000e+00;
	v12 =	vadd.f32 $-2.140484940e-02, v19;
	v19 =	vadd.f32 $1.000000000e+00, v15  }
0x191: {  	v15 =	vmax.f32 v18, $-2.000000000e+00;
	v18 =	vmul.f32 v16, v16;
	v27 =	vmul.f32 v17, v17  }
0x192: {  	v15 =	vmin.f32 v15, $2.000000000e+00;
	v12 =	vmul.f32 v12, v25;
	v13 =	vmul.f32 v19, v13  }
0x193: {  	v23 =	vadd.f32 $-2.140484940e-02, v23;
	v19 =	vmul.f32 v15, v15;
	v28 =	vmul.f32 $1.859809970e-03, v18  }
0x194: {  	v20 =	vadd.f32 $1.047005500e-01, v20;
	v29 =	vmul.f32 $1.859809970e-03, v27;
	v12 =	vadd.f32 $1.047005500e-01, v12  }
0x195: {  	v30 =	vadd.f32 v13, v14;
	v13 =	vmul.f32 $1.859809970e-03, v19;
	v14 =	vadd.f32 $-2.140484940e-02, v28  }
0x196: {  	v23 =	vmul.f32 v23, v8;
	v61 =	vadd.f32 $-2.140484940e-02, v29;
	v12 =	vmul.f32 v12, v25  }
0x197: {  	v22 =	vadd.f32 $1.047005500e-01, v22;
	v13 =	vadd.f32 $-2.140484940e-02, v13;
	v14 =	vmul.f32 v14, v18  }
0x198: {  	v23 =	vadd.f32 $1.047005500e-01, v23;
	v28 =	vmul.f32 v61, v27;
	v12 =	vadd.f32 $-3.243084550e-01, v12  }
0x199: {  	v20 =	vmul.f32 v20, v21;
	v13 =	vmul.f32 v13, v19;
	v14 =	vadd.f32 $1.047005500e-01, v14  }
0x19a: {  	v22 =	vmul.f32 v22, v26;
	v28 =	vadd.f32 $1.047005500e-01, v28;
	v12 =	vmul.f32 v12, v25  }
0x19b: {  	v23 =	vmul.f32 v23, v8;
	v13 =	vadd.f32 $1.047005500e-01, v13;
	v14 =	vmul.f32 v14, v18  }
0x19c: {  	v63 =	vadd.f32 $-3.243084550e-01, v20;
	v25 =	vmul.f32 v28, v27;
	v62 =	vadd.f32 $1.000000000e+00, v12  }
0x19d: {  	v33 =	vadd.f32 $-3.243084550e-01, v22;
	v22 =	vld [tilespmem:s29+$0x330];
	v31 =	vmul.f32 v13, v19;
	v32 =	vadd.f32 $-3.243084550e-01, v14  }
0x19e: {  	v20 =	vadd.f32 $-3.243084550e-01, v23;
	v12 =	vld [tilespmem:s29+$0x300];
	v25 =	vadd.f32 $-3.243084550e-01, v25;
	v28 =	vmul.f32 v62, v24  }
0x19f: {  	v21 =	vmul.f32 v63, v21;
	v13 =	vld [tilespmem:s29+$0x310];
	v23 =	vadd.f32 $-3.243084550e-01, v31;
	v24 =	vmul.f32 v32, v18  }
0x1a0: {  	s28 =	simm.s32 $0x100;
	s26 =	simm.s32 $0x4;
	[tilespmem:s24+$0x30] =	vst v30;
	v14 =	vld [tilespmem:s29+$0x320];
	s29 =	simm.s32 $0x8;
	v25 =	vmul.f32 v25, v27;
	v18 =	vmul.f32 v33, v26;
	v11 =	vadd.f32 v28, v11  }
.LBB2_14:
0x1a1: {  	s30 =	smulhi.u32 $0xAAAAAAAB, s29;
	s26 =	sadd.s32 $0x4, s26;
	v19 =	vmul.f32 v23, v19;
	v23 =	vadd.f32 $1.000000000e+00, v24;
	v8 =	vmul.f32 v20, v8  }
0x1a2: {  	v21 =	vadd.f32 $1.000000000e+00, v21;
	p1 =	slt.u32 s26, $0x17FC;
	v20 =	vadd.f32 $1.000000000e+00, v25;
	v22 =	vmul.f32 v11, v22  }
0x1a3: {  	v18 =	vadd.f32 $1.000000000e+00, v18;
	s30 =	sshrl.u32 s30, $0x5;
	v19 =	vadd.f32 $1.000000000e+00, v19;
	v16 =	vmul.f32 v23, v16  }
0x1a4: {  	v8 =	vadd.f32 $1.000000000e+00, v8;
	s30 =	smul.u32 $0xFFFFF400, s30;
	v17 =	vmul.f32 v20, v17;
	v20 =	vmax.f32 v22, $-2.000000000e+00  }
0x1a5: {  	s28 =	sadd.s32 $0x100, s28;
	v15 =	vmul.f32 v19, v15;
	v9 =	vadd.f32 v16, v9;
	v19 =	vmin.f32 v20, $2.000000000e+00  }
0x1a6: {  	s31 =	sshra.s32 s28, $0x2;
	v5 =	vmul.f32 v21, v5;
	s30 =	sshra.s32 s30, $0x2;
	v10 =	vadd.f32 v17, v10;
	v16 =	vmul.f32 v19, v19  }
0x1a7: {  	v17 =	vmul.f32 v18, v6;
	s0 =	sadd.s32 s31, s30;
	v15 =	vadd.f32 v15, v7;
	v7 =	vld [tilespmem:s31+$0x0];
	v13 =	vmul.f32 v9, v13  }
0x1a8: {  	v20 =	vadd.f32 v5, v3;
	v3 =	vmovc v9;
	s30 =	sadd.s32 $0x1A700, s0;
	v18 =	vld [tilespmem:s31+$0x30];
	v6 =	vmul.f32 v10, v14;
	v14 =	vmul.f32 $1.859809970e-03, v16  }
0x1a9: {  	v21 =	vld [tilespmem:s30+$0x30];
	v9 =	vmul.f32 v15, v12;
	v5 =	vmax.f32 v13, $-2.000000000e+00;
	v13 =	vmul.f32 v8, v4  }
0x1aa: {  	v22 =	vld [tilespmem:s30+$0x10];
	v5 =	vmin.f32 v5, $2.000000000e+00;
	v4 =	vmax.f32 v6, $-2.000000000e+00;
	v8 =	vadd.f32 $-2.140484940e-02, v14;
	[tilespmem:s24+$0x10] =	vst v20  }
0x1ab: {  	v20 =	vld [tilespmem:s30+$0x20];
	v9 =	vmax.f32 v9, $-2.000000000e+00;
	v25 =	vmul.f32 v5, v5;
	v6 =	vmin.f32 v4, $2.000000000e+00  }
0x1ac: {  	v14 =	vld [tilespmem:s0+$0x1A700];
	v4 =	vmin.f32 v9, $2.000000000e+00;
	v26 =	vmul.f32 v6, v6;
	v12 =	vmul.f32 v8, v16  }
0x1ad: {  	v17 =	vadd.f32 v17, v1;
	v1 =	vmovc v10;
	v9 =	vld [tilespmem:s31+$0x10];
	v8 =	vmul.f32 v4, v4;
	v23 =	vmul.f32 $1.859809970e-03, v25  }
0x1ae: {  	v10 =	vld [tilespmem:s31+$0x20];
	v21 =	vmul.f32 v21, v18;
	v24 =	vmul.f32 $1.859809970e-03, v26;
	v27 =	vadd.f32 $1.047005500e-01, v12  }
0x1af: {  	v29 =	vadd.f32 v13, v2;
	v2 =	vmovc v15;
	v12 =	vld [tilespmem:s30+$0x300];
	v28 =	vmul.f32 $1.859809970e-03, v8;
	v23 =	vadd.f32 $-2.140484940e-02, v23;
	[tilespmem:s24+$0x20] =	vst v17  }
0x1b0: {  	v13 =	vld [tilespmem:s30+$0x310];
	v15 =	vmax.f32 v21, $-2.000000000e+00;
	v21 =	vadd.f32 $-2.140484940e-02, v24;
	v17 =	vmul.f32 v27, v16  }
0x1b1: {  	v24 =	vmul.f32 v14, v7;
	v14 =	vld [tilespmem:s30+$0x320];
	v27 =	vmin.f32 v15, $2.000000000e+00;
	v28 =	vadd.f32 $-2.140484940e-02, v28;
	[tilespmem:s24+$0x0] =	vst v29;
	s24 =	smov.u32 s25;
	s25 =	smov.u32 s31  }
0x1b2: {  	v15 =	vmul.f32 v22, v9;
	v22 =	vmul.f32 v27, v27;
	v17 =	vadd.f32 $-3.243084550e-01, v17  }
0x1b3: {  	v23 =	vmul.f32 v23, v25;
	v24 =	vmax.f32 v24, $-2.000000000e+00;
	v20 =	vmul.f32 v20, v10  }
0x1b4: {  	v29 =	vmax.f32 v15, $-2.000000000e+00;
	v30 =	vmul.f32 $1.859809970e-03, v22;
	v31 =	vmul.f32 v17, v16  }
0x1b5: {  	v15 =	vmin.f32 v24, $2.000000000e+00;
	v16 =	vmin.f32 v29, $2.000000000e+00;
	v17 =	vmax.f32 v20, $-2.000000000e+00  }
0x1b6: {  	v17 =	vmin.f32 v17, $2.000000000e+00;
	v20 =	vadd.f32 $-2.140484940e-02, v30;
	v24 =	vadd.f32 $1.000000000e+00, v31  }
0x1b7: {  	v23 =	vadd.f32 $1.047005500e-01, v23;
	v29 =	vmul.f32 v16, v16;
	v30 =	vmul.f32 v17, v17  }
0x1b8: {  	v20 =	vmul.f32 v20, v22;
	v24 =	vmul.f32 v24, v19  }
0x1b9: {  	v19 =	vmul.f32 v15, v15;
	v31 =	vmul.f32 $1.859809970e-03, v29  }
0x1ba: {  	v32 =	vmul.f32 $1.859809970e-03, v30;
	v20 =	vadd.f32 $1.047005500e-01, v20;
	v11 =	vadd.f32 v24, v11  }
0x1bb: {  	v21 =	vmul.f32 v21, v26;
	v24 =	vmul.f32 $1.859809970e-03, v19;
	v31 =	vadd.f32 $-2.140484940e-02, v31  }
0x1bc: {  	v28 =	vmul.f32 v28, v8;
	v32 =	vadd.f32 $-2.140484940e-02, v32;
	v20 =	vmul.f32 v20, v22;
	[tilespmem:s24+$0x30] =	vst v11  }
0x1bd: {  	v21 =	vadd.f32 $1.047005500e-01, v21;
	v11 =	vadd.f32 $-2.140484940e-02, v24;
	v24 =	vmul.f32 v31, v29  }
0x1be: {  	v28 =	vadd.f32 $1.047005500e-01, v28;
	v31 =	vmul.f32 v32, v30;
	v20 =	vadd.f32 $-3.243084550e-01, v20  }
0x1bf: {  	v23 =	vmul.f32 v23, v25;
	v11 =	vmul.f32 v11, v19;
	v24 =	vadd.f32 $1.047005500e-01, v24  }
0x1c0: {  	v21 =	vmul.f32 v21, v26;
	v31 =	vadd.f32 $1.047005500e-01, v31;
	v20 =	vmul.f32 v20, v22  }
0x1c1: {  	v11 =	vadd.f32 $1.047005500e-01, v11;
	v22 =	vmul.f32 v24, v29;
	v24 =	vmul.f32 v28, v8  }
.Ltmp8:
0x1c2: {  	v28 =	vmul.f32 v31, v30;
	v31 =	vadd.f32 $-3.243084550e-01, v23;
	v20 =	vadd.f32 $1.000000000e+00, v20;
	(pc) =	sbr.rel @p1 .LBB2_14-.Ltmp8, $4  }
0x1c3: {  	v33 =	vadd.f32 $-3.243084550e-01, v21;
	v11 =	vmul.f32 v11, v19;
	v32 =	vadd.f32 $-3.243084550e-01, v22;
	v22 =	vld [tilespmem:s30+$0x330]  }
0x1c4: {  	v28 =	vadd.f32 $-3.243084550e-01, v28;
	v27 =	vmul.f32 v20, v27;
	v20 =	vadd.f32 $-3.243084550e-01, v24  }
0x1c5: {  	v21 =	vmul.f32 v31, v25;
	v23 =	vadd.f32 $-3.243084550e-01, v11;
	v24 =	vmul.f32 v32, v29  }
0x1c6: {  	s29 =	sadd.s32 $0x4, s29;
	v25 =	vmul.f32 v28, v30;
	v11 =	vadd.f32 v27, v18;
	v18 =	vmul.f32 v33, v26  }
0x1c7: {  	v19 =	vmul.f32 v23, v19;
	v43 =	vadd.f32 $1.000000000e+00, v24  }
0x1c8: {  	v44 =	vadd.f32 $1.000000000e+00, v25  }
0x1c9: {  	v19 =	vadd.f32 $1.000000000e+00, v19;
	v16 =	vmul.f32 v43, v16  }
0x1ca: {  	v17 =	vmul.f32 v44, v17  }
0x1cb: {  	v15 =	vmul.f32 v19, v15;
	v9 =	vadd.f32 v16, v9  }
0x1cc: {  	v45 =	vmul.f32 v11, v22;
	v10 =	vadd.f32 v17, v10  }
0x1cd: {  	v7 =	vadd.f32 v15, v7;
	v13 =	vmul.f32 v9, v13  }
0x1ce: {  	v46 =	vmax.f32 v45, $-2.000000000e+00;
	v14 =	vmul.f32 v10, v14  }
0x1cf: {  	v15 =	vmin.f32 v46, $2.000000000e+00;
	v12 =	vmul.f32 v7, v12;
	v13 =	vmax.f32 v13, $-2.000000000e+00  }
0x1d0: {  	v47 =	vmul.f32 v15, v15;
	v13 =	vmin.f32 v13, $2.000000000e+00;
	v14 =	vmax.f32 v14, $-2.000000000e+00  }
0x1d1: {  	v12 =	vmax.f32 v12, $-2.000000000e+00;
	v48 =	vmul.f32 v13, v13;
	v14 =	vmin.f32 v14, $2.000000000e+00  }
0x1d2: {  	v49 =	vmul.f32 $1.859809970e-03, v47;
	v12 =	vmin.f32 v12, $2.000000000e+00;
	v50 =	vmul.f32 v14, v14  }
0x1d3: {  	v51 =	vmul.f32 v12, v12;
	v52 =	vmul.f32 $1.859809970e-03, v48  }
0x1d4: {  	v19 =	vadd.f32 $-2.140484940e-02, v49;
	v53 =	vmul.f32 $1.859809970e-03, v50  }
0x1d5: {  	v26 =	vmul.f32 $1.859809970e-03, v51;
	v24 =	vadd.f32 $-2.140484940e-02, v52  }
0x1d6: {  	v19 =	vmul.f32 v19, v47;
	v25 =	vadd.f32 $-2.140484940e-02, v53  }
0x1d7: {  	v26 =	vadd.f32 $-2.140484940e-02, v26;
	v24 =	vmul.f32 v24, v48  }
0x1d8: {  	v19 =	vadd.f32 $1.047005500e-01, v19;
	v25 =	vmul.f32 v25, v50  }
0x1d9: {  	v24 =	vadd.f32 $1.047005500e-01, v24;
	v26 =	vmul.f32 v26, v51  }
0x1da: {  	v8 =	vmul.f32 v20, v8;
	v19 =	vmul.f32 v19, v47;
	v54 =	vadd.f32 $1.047005500e-01, v25  }
0x1db: {  	v21 =	vadd.f32 $1.000000000e+00, v21;
	v55 =	vadd.f32 $1.047005500e-01, v26;
	v24 =	vmul.f32 v24, v48  }
0x1dc: {  	v18 =	vadd.f32 $1.000000000e+00, v18;
	v19 =	vadd.f32 $-3.243084550e-01, v19;
	v20 =	vmul.f32 v54, v50  }
0x1dd: {  	v8 =	vadd.f32 $1.000000000e+00, v8;
	v25 =	vmul.f32 v55, v51;
	v24 =	vadd.f32 $-3.243084550e-01, v24  }
0x1de: {  	v5 =	vmul.f32 v21, v5;
	v16 =	vmul.f32 v19, v47;
	v56 =	vadd.f32 $-3.243084550e-01, v20  }
0x1df: {  	v6 =	vmul.f32 v18, v6;
	v57 =	vadd.f32 $-3.243084550e-01, v25;
	v17 =	vmul.f32 v24, v48  }
0x1e0: {  	v3 =	vadd.f32 v5, v3;
	v58 =	vadd.f32 $1.000000000e+00, v16;
	v59 =	vmul.f32 v56, v50  }
0x1e1: {  	v4 =	vmul.f32 v8, v4;
	v60 =	vmul.f32 v57, v51;
	v17 =	vadd.f32 $1.000000000e+00, v17  }
0x1e2: {  	v1 =	vadd.f32 v6, v1;
	v5 =	vmul.f32 v58, v15;
	v61 =	vadd.f32 $1.000000000e+00, v59  }
0x1e3: {  	[tilespmem:s24+$0x10] =	vst v3;
	v2 =	vadd.f32 v4, v2;
	v3 =	vadd.f32 $1.000000000e+00, v60;
	v62 =	vmul.f32 v17, v13  }
0x1e4: {  	[tilespmem:s24+$0x20] =	vst v1;
	v1 =	vadd.f32 v5, v11;
	v63 =	vmul.f32 v61, v14  }
0x1e5: {  	[tilespmem:s24+$0x0] =	vst v2;
	v2 =	vadd.f32 v62, v9;
	v3 =	vmul.f32 v3, v12  }
0x1e6: {  	[tilespmem:s25+$0x30] =	vst v1;
	v1 =	vadd.f32 v63, v10  }
0x1e7: {  	[tilespmem:s25+$0x10] =	vst v2;
	v2 =	vadd.f32 v3, v7  }
0x1e8: {  	[tilespmem:s25+$0x20] =	vst v1  }
.Ltmp9:
0x1e9: {  	[tilespmem:s25+$0x0] =	vst v2;
	(pc) =	sbr.rel @p0 .LBB2_19-.Ltmp9, $4  }
0x1ea: {  	[hbm4b:s11+s2] =	stream.linear.scatter [tilespmem:s2], [sflag:$0x1], $0x18000, $0x38;
	[tilespmem:$0x1B300] =	vst v63  }
0x1eb: {  	_ =	swait.ge [sflag:s19], $0x18000  }
0x1ec: {  	[sflag:s19] =	ssyncset.done $0x0  }
0x1ed: {  	[sflag:s19] =	ssyncadd.s32 $0xFFFE8000  }
0x1ee: {  	s0 =	simm.s32 $0x0  }
0x1ef: {  	[tilespmem:s22], [sflag:$0x2] =	stream.linear.gather [hbm4b:s6+s0], $0x300, $0x38;
	[tilespmem:$0x1B300] =	vst v63  }
0x1f0: {  	_ =	swait.ge [sflag:s15], $0x300  }
0x1f1: {  	[sflag:s15] =	ssyncset.done $0x0  }
0x1f2: {  	s24 =	simm.s32 $0x0;
	[sflag:s15] =	ssyncadd.s32 $0xFFFFFD00  }
0x1f3: {  	s25 =	simm.s32 $0x40;
	v1 =	vld [tilespmem:s24+$0x1A700]  }
.LBB2_17:
0x1f4: {  	p1 =	sne.s32 s25, $0xBC0;
	v2 =	vld [tilespmem:s24+$0x1AD00];
	_ =	sdelay $0x4  }
0x1f5: {  	v1 =	vmul.f32 v1, v2;
	_ =	sdelay $0x1  }
0x1f6: {  	v1 =	vmax.f32 v1, $-2.000000000e+00  }
0x1f7: {  	v1 =	vmin.f32 v1, $2.000000000e+00  }
0x1f8: {  	v3 =	vmul.f32 v1, v1;
	_ =	sdelay $0x1  }
0x1f9: {  	v4 =	vmul.f32 $1.859809970e-03, v3;
	_ =	sdelay $0x1  }
0x1fa: {  	v4 =	vadd.f32 $-2.140484940e-02, v4;
	_ =	sdelay $0x1  }
0x1fb: {  	v4 =	vmul.f32 v4, v3;
	_ =	sdelay $0x1  }
0x1fc: {  	v4 =	vadd.f32 $1.047005500e-01, v4;
	_ =	sdelay $0x1  }
0x1fd: {  	v4 =	vmul.f32 v4, v3;
	_ =	sdelay $0x1  }
0x1fe: {  	v4 =	vadd.f32 $-3.243084550e-01, v4;
	_ =	sdelay $0x1  }
0x1ff: {  	v3 =	vmul.f32 v4, v3;
	_ =	sdelay $0x1  }
0x200: {  	v3 =	vadd.f32 $1.000000000e+00, v3  }
0x201: {  	v4 =	vld [tilespmem:s24+$0x1AA00]  }
0x202: {  	v1 =	vmul.f32 v3, v1;
	_ =	sdelay $0x1  }
0x203: {  	v1 =	vadd.f32 v1, v2;
	_ =	sdelay $0x1  }
0x204: {  	v2 =	vmul.f32 v1, v4;
	_ =	sdelay $0x1  }
0x205: {  	v2 =	vmax.f32 v2, $-2.000000000e+00  }
0x206: {  	v2 =	vmin.f32 v2, $2.000000000e+00  }
0x207: {  	v3 =	vmul.f32 v2, v2;
	_ =	sdelay $0x1  }
0x208: {  	v4 =	vmul.f32 $1.859809970e-03, v3;
	_ =	sdelay $0x1  }
0x209: {  	v4 =	vadd.f32 $-2.140484940e-02, v4;
	_ =	sdelay $0x1  }
0x20a: {  	v4 =	vmul.f32 v4, v3;
	_ =	sdelay $0x1  }
0x20b: {  	v4 =	vadd.f32 $1.047005500e-01, v4;
	_ =	sdelay $0x1  }
0x20c: {  	v4 =	vmul.f32 v4, v3;
	_ =	sdelay $0x1  }
0x20d: {  	v4 =	vadd.f32 $-3.243084550e-01, v4;
	_ =	sdelay $0x1  }
0x20e: {  	v3 =	vmul.f32 v4, v3;
	_ =	sdelay $0x1  }
0x20f: {  	v3 =	vadd.f32 $1.000000000e+00, v3;
	_ =	sdelay $0x1  }
.Ltmp10:
0x210: {  	v2 =	vmul.f32 v3, v2;
	(pc) =	sbr.rel @p1 .LBB2_17-.Ltmp10, $4  }
0x211: {  	_ = 	snop  }
0x212: {  	v2 =	vadd.f32 v2, v1  }
0x213: {  	s0 =	sshra.s32 s25, $0x2  }
0x214: {  	s25 =	sadd.s32 $0x40, s25;
	v1 =	vld [tilespmem:s0+$0x1A700];
	[tilespmem:s24+$0x1AD00] =	vst v2;
	s24 =	smov.u32 s0  }
0x215: {  	v2 =	vld [tilespmem:s24+$0x1AD00];
	_ =	sdelay $0x4  }
0x216: {  	v1 =	vmul.f32 v1, v2;
	_ =	sdelay $0x1  }
0x217: {  	v1 =	vmax.f32 v1, $-2.000000000e+00  }
0x218: {  	v1 =	vmin.f32 v1, $2.000000000e+00  }
0x219: {  	v3 =	vmul.f32 v1, v1;
	_ =	sdelay $0x1  }
0x21a: {  	v4 =	vmul.f32 $1.859809970e-03, v3;
	_ =	sdelay $0x1  }
0x21b: {  	v4 =	vadd.f32 $-2.140484940e-02, v4;
	_ =	sdelay $0x1  }
0x21c: {  	v4 =	vmul.f32 v4, v3;
	_ =	sdelay $0x1  }
0x21d: {  	v4 =	vadd.f32 $1.047005500e-01, v4;
	_ =	sdelay $0x1  }
0x21e: {  	v4 =	vmul.f32 v4, v3;
	_ =	sdelay $0x1  }
0x21f: {  	v4 =	vadd.f32 $-3.243084550e-01, v4;
	_ =	sdelay $0x1  }
0x220: {  	v3 =	vmul.f32 v4, v3;
	_ =	sdelay $0x1  }
0x221: {  	v3 =	vadd.f32 $1.000000000e+00, v3  }
0x222: {  	v62 =	vld [tilespmem:s24+$0x1AA00]  }
0x223: {  	v1 =	vmul.f32 v3, v1;
	_ =	sdelay $0x1  }
0x224: {  	v1 =	vadd.f32 v1, v2;
	_ =	sdelay $0x1  }
0x225: {  	v2 =	vmul.f32 v1, v62;
	_ =	sdelay $0x1  }
0x226: {  	v2 =	vmax.f32 v2, $-2.000000000e+00  }
0x227: {  	v2 =	vmin.f32 v2, $2.000000000e+00  }
0x228: {  	v3 =	vmul.f32 v2, v2;
	_ =	sdelay $0x1  }
0x229: {  	v63 =	vmul.f32 $1.859809970e-03, v3;
	_ =	sdelay $0x1  }
0x22a: {  	v4 =	vadd.f32 $-2.140484940e-02, v63;
	_ =	sdelay $0x1  }
0x22b: {  	v4 =	vmul.f32 v4, v3;
	_ =	sdelay $0x1  }
0x22c: {  	v4 =	vadd.f32 $1.047005500e-01, v4;
	_ =	sdelay $0x1  }
0x22d: {  	v4 =	vmul.f32 v4, v3;
	_ =	sdelay $0x1  }
0x22e: {  	v4 =	vadd.f32 $-3.243084550e-01, v4;
	_ =	sdelay $0x1  }
0x22f: {  	v3 =	vmul.f32 v4, v3;
	_ =	sdelay $0x1  }
0x230: {  	v3 =	vadd.f32 $1.000000000e+00, v3;
	_ =	sdelay $0x1  }
0x231: {  	v2 =	vmul.f32 v3, v2;
	_ =	sdelay $0x1  }
0x232: {  	v1 =	vadd.f32 v2, v1;
	_ =	sdelay $0x1  }
.Ltmp11:
0x233: {  	[tilespmem:s24+$0x1AD00] =	vst v1;
	(pc) =	sbr.rel .LBB2_19-.Ltmp11, $4  }
0x234: {  	[hbm4b:s12+s2] =	stream.linear.scatter [tilespmem:s22], [sflag:$0x2], $0x300, $0x38;
	[tilespmem:$0x1B300] =	vst v63  }
0x235: {  	_ =	swait.ge [sflag:s15], $0x300  }
0x236: {  	[sflag:s15] =	ssyncset.done $0x0  }
0x237: {  	[sflag:s15] =	ssyncadd.s32 $0xFFFFFD00  }
.LBB2_20:
0x238: {  	_ =	sfence.sel $0x180000  }
0x239: {  	[bflag:$0x0] =	sbarrier.arrive $0xFFFF  }
0x23a: {  	_ =	strace $0x90000047  }
0x23b: {  	[bflag:$0x2] =	sbarrier.arrive $0xFFFF  }
0x23c: {  	p0 =	sne.s32 s1, $0x0;
	s0 =	rddreg [dreg:$0x3]  }
0x23d: {  	s0 =	sadd.s32 @!p0 $0x100000, s0  }
0x23e: {  	[sflag:s0] =	ssyncadd.tile.s32 @!p0 $0x1;
	_ =	shalt  }
.Lfunc_end2:
_tile_overlayer_lowered:
.L_overlay_start_2:
0x23f: {  	(tag) =	ssettag $0x2  }
0x240: {  	s0 =	rddreg [dreg:$0x0];
	s2 =	stileid.u32  }
0x241: {  	s1 =	rddreg [dreg:$0x1];
	p0 =	sne.s32 s2, $0x0  }
0x242: {  	s3 =	rddreg [dreg:$0x2];
	[bflag:$0x3] =	sbarrier.arrive $0xFFFF;
	s2 =	simm.s32 @!p0 $0x1C02  }
0x243: {  	[timem:s3], [sflag:s2] =	dma.local @!p0 [hbm:s0], s1  }
0x244: {  	s0 =	simm.s32 @!p0 $0x2  }
0x245: {  	_ =	swait.ge @!p0 [sflag:s0], s1  }
0x246: {  	s1 =	ssub.s32 @!p0 $0x0, s1;
	[sflag:s0] =	ssyncset.done @!p0 $0x0  }
0x247: {  	[sflag:s0] =	ssyncadd.s32 @!p0 s1  }
0x248: {  	[bflag:$0x3] =	sbarrier.arrive $0xFFFF  }
0x249: {  	_ =	shalt  }

</sc_bundles>
